<compile_context>
chip_gen: v7x
topology: tpu7x:2x2x1
jax: 0.10.2.dev20260603
libtpu: 0.0.44.dev20260713+nightly
codegen_flags: <defaults>
</compile_context>

<pallas_src>
import functools

import jax
import jax.numpy as jnp
from jax import lax
from jax.experimental import pallas as pl
from jax.experimental.pallas import tpu as pltpu
from jax.experimental.pallas import tpu_sc as plsc

NC = 2
NS = 16
CHUNK = 128
NCHUNK = 79
NPH = 2
PH = 40
DEGW = 128
ZROWS = 640


def _cdiv(a, b):
    return (a + b - 1) // b


@functools.lru_cache(maxsize=None)
def _sc_calls(N, E, D):
    n_tiles = NC * NS
    nch = NCHUNK
    e_pad = nch * CHUNK * n_tiles
    acc_rows = ZROWS * NS
    assert e_pad >= E and N % NS == 0 and acc_rows >= N + 1

    mesh = plsc.VectorSubcoreMesh(core_axis_name="c", subcore_axis_name="s")

    @functools.partial(
        pl.kernel,
        out_type=jax.ShapeDtypeStruct((NC, ZROWS * NS, DEGW), jnp.float32),
        mesh=mesh,
        scratch_types=[
            pltpu.VMEM((nch, CHUNK), jnp.int32),
            pltpu.VMEM((CHUNK, DEGW), jnp.float32),
            pltpu.VMEM_SHARED((acc_rows, DEGW), jnp.float32),
        ],
    )
    def deg_call(dst_hbm, zeros_hbm, ones_hbm, out_hbm, dst_v, ones_v, acc_sh):
        c = lax.axis_index("c")
        s = lax.axis_index("s")
        pltpu.sync_copy(zeros_hbm, acc_sh.at[pl.ds(s * ZROWS, ZROWS)])
        pltpu.sync_copy(ones_hbm, ones_v)
        pltpu.sync_copy(dst_hbm.at[c, s], dst_v)
        plsc.subcore_barrier()

        def body(j, carry):
            pltpu.sync_copy(ones_v, acc_sh.at[dst_v.at[j]], add=True)
            return carry

        lax.fori_loop(0, nch, body, 0)
        plsc.subcore_barrier()
        pltpu.sync_copy(acc_sh.at[pl.ds(s * ZROWS, ZROWS)],
                        out_hbm.at[c, pl.ds(s * ZROWS, ZROWS)])

    @functools.partial(
        pl.kernel,
        out_type=jax.ShapeDtypeStruct((NC, ZROWS * NS, D), jnp.float32),
        mesh=mesh,
        scratch_types=[
            pltpu.VMEM((PH, CHUNK), jnp.int32),
            pltpu.VMEM((PH, CHUNK), jnp.int32),
            pltpu.VMEM((CHUNK, D), jnp.float32),
            pltpu.VMEM((CHUNK, D), jnp.float32),
            pltpu.VMEM_SHARED((acc_rows, D), jnp.float32),
            pltpu.SemaphoreType.DMA,
            pltpu.SemaphoreType.DMA,
        ],
    )
    def scat_call(g_hbm, src_hbm, dst_hbm, zeros_hbm, out_hbm,
                  src_v, dst_v, rows_a, rows_b, acc_sh, sem_a, sem_b):
        c = lax.axis_index("c")
        s = lax.axis_index("s")
        pltpu.sync_copy(zeros_hbm, acc_sh.at[pl.ds(s * ZROWS, ZROWS)])
        plsc.subcore_barrier()

        def gather(j, buf, sem):
            return pltpu.async_copy(g_hbm.at[src_v.at[j]], buf, sem)

        def gwait(j, buf, sem):
            pltpu.make_async_copy(g_hbm.at[src_v.at[j]], buf, sem).wait()

        def scatter(j, buf):
            pltpu.sync_copy(buf, acc_sh.at[dst_v.at[j]], add=True)

        for ph in range(NPH):
            nc_ph = min(PH, nch - ph * PH)
            pltpu.sync_copy(src_hbm.at[c, s, pl.ds(ph * PH, PH)], src_v)
            pltpu.sync_copy(dst_hbm.at[c, s, pl.ds(ph * PH, PH)], dst_v)
            gather(0, rows_a, sem_a)

            def body(t, carry):
                j0 = 2 * t
                j1 = 2 * t + 1
                gwait(j0, rows_a, sem_a)
                gather(j1, rows_b, sem_b)
                scatter(j0, rows_a)
                gwait(j1, rows_b, sem_b)

                @pl.when(j1 + 1 < nc_ph)
                def _():
                    gather(j1 + 1, rows_a, sem_a)

                scatter(j1, rows_b)
                return carry

            lax.fori_loop(0, nc_ph // 2, body, 0)
            if nc_ph % 2:
                jt = nc_ph - 1
                gwait(jt, rows_a, sem_a)
                scatter(jt, rows_a)
        plsc.subcore_barrier()
        pltpu.sync_copy(acc_sh.at[pl.ds(s * ZROWS, ZROWS)],
                        out_hbm.at[c, pl.ds(s * ZROWS, ZROWS)])

    return deg_call, scat_call, e_pad


@functools.lru_cache(maxsize=None)
def _tc_calls(N, D):
    BR = 2000 if N % 2000 == 0 else N // NS
    grid = (N // BR,)
    xb = pl.BlockSpec((BR, D), lambda b: (b, 0))
    wb = pl.BlockSpec((D, D), lambda b: (0, 0))
    bb = pl.BlockSpec((1, D), lambda b: (0, 0))
    db = pl.BlockSpec((NC, BR, DEGW), lambda b: (0, b, 0))
    sb = pl.BlockSpec((NC, BR, D), lambda b: (0, b, 0))
    oshape = jax.ShapeDtypeStruct((N, D), jnp.float32)

    def dinv_of(d_ref):
        return lax.rsqrt(d_ref[0, :, 0:1] + d_ref[1, :, 0:1] + 1.0)

    def k1_body(x_ref, w_ref, d_ref, o_ref):
        h = jnp.dot(x_ref[...], w_ref[...], preferred_element_type=jnp.float32)
        o_ref[...] = h * dinv_of(d_ref)

    k1 = pl.pallas_call(k1_body, grid=grid, in_specs=[xb, wb, db],
                        out_specs=xb, out_shape=oshape)

    def k3_body(s_ref, g_ref, d_ref, b_ref, w_ref, o_ref):
        dinv = dinv_of(d_ref)
        x = (s_ref[0] + s_ref[1] + g_ref[...]) * dinv + b_ref[...]
        x = jnp.maximum(x, 0.0)
        o_ref[...] = jnp.dot(x, w_ref[...],
                             preferred_element_type=jnp.float32) * dinv

    k3 = pl.pallas_call(k3_body, grid=grid, in_specs=[sb, xb, db, bb, wb],
                        out_specs=xb, out_shape=oshape)

    def k5_body(s_ref, g_ref, d_ref, b_ref, o_ref):
        o_ref[...] = ((s_ref[0] + s_ref[1] + g_ref[...]) * dinv_of(d_ref)
                      + b_ref[...])

    k5 = pl.pallas_call(k5_body, grid=grid, in_specs=[sb, xb, db, bb],
                        out_specs=xb, out_shape=oshape)

    return k1, k3, k5


def kernel(features, edge_index, W1, b1, W2, b2):
    N, D = features.shape
    E = edge_index.shape[1]
    deg_call, scat_call, e_pad = _sc_calls(N, E, D)
    k1, k3, k5 = _tc_calls(N, D)

    src = edge_index[0].astype(jnp.int32)
    dst = edge_index[1].astype(jnp.int32)
    pad = e_pad - E
    n_tiles = NC * NS
    dump = N + jnp.arange(pad, dtype=jnp.int32) % (ZROWS * NS - N)
    src79 = jnp.concatenate(
        [src, jnp.zeros((pad,), jnp.int32)]).reshape(n_tiles, NCHUNK, CHUNK)
    dst79 = jnp.concatenate([dst, dump]).reshape(n_tiles, NCHUNK, CHUNK)
    dst_deg = dst79.reshape(NC, NS, NCHUNK, CHUNK)
    fill = NPH * PH - NCHUNK
    src_r = jnp.concatenate(
        [src79, jnp.zeros((n_tiles, fill, CHUNK), jnp.int32)],
        axis=1).reshape(NC, NS, NPH * PH, CHUNK)
    dst_r = jnp.concatenate(
        [dst79, jnp.full((n_tiles, fill, CHUNK), N, jnp.int32)],
        axis=1).reshape(NC, NS, NPH * PH, CHUNK)
    zeros_h = jnp.zeros((ZROWS, D), jnp.float32)
    
    ones_h = jnp.ones((CHUNK, DEGW), jnp.float32)
    b1r = b1.reshape(1, D)
    b2r = b2.reshape(1, D)

    deg = deg_call(dst_deg, zeros_h, ones_h)
    g1 = k1(features, W1, deg)
    s1 = scat_call(g1, src_r, dst_r, zeros_h)
    g2 = k3(s1, g1, deg, b1r, W2)
    s2 = scat_call(g2, src_r, dst_r, zeros_h)
    return k5(s2, g2, deg, b2r)

# --- scband reference (transcript-rebuilt; emitter-appended) ---
"""Pipeline reference for scband-graph-sagenet-53334903882346 (READ-ONLY COPY).

The authoritative reference and input builder live on the scoring server;
editing this copy changes nothing except your own understanding.
"""

import jax, jax.numpy as jnp
import numpy as np

N_NODES = 10000
N_EDGES = 320000
D_IN = 128
D_HID = 128
D_OUT = 128


def setup_inputs(seed: int = 0) -> dict:
    key = jax.random.key(seed)
    k1, k2, k3, k4, k5, k6 = jax.random.split(key, 6)
    features = jax.random.normal(k1, (N_NODES, D_IN), dtype=jnp.float32)
    edge_index = jax.random.randint(k2, (2, N_EDGES), 0, N_NODES, dtype=jnp.int64)
    # GCNConv parameters (glorot-style init for weights, zeros for bias)
    W1 = jax.random.normal(k3, (D_IN, D_HID), dtype=jnp.float32) * (1.0 / np.sqrt(D_IN))
    b1 = jnp.zeros((D_HID,), dtype=jnp.float32)
    W2 = jax.random.normal(k4, (D_HID, D_OUT), dtype=jnp.float32) * (1.0 / np.sqrt(D_HID))
    b2 = jnp.zeros((D_OUT,), dtype=jnp.float32)
    return {"features": features, "edge_index": edge_index, "W1": W1, "b1": b1, "W2": W2, "b2": b2}


def _gcn_conv(x, edge_index, W, b):
    n = x.shape[0]
    # add self-loops (PyG GCNConv default add_self_loops=True)
    loops = jnp.arange(n, dtype=edge_index.dtype)
    src = jnp.concatenate([edge_index[0], loops])
    dst = jnp.concatenate([edge_index[1], loops])
    # symmetric normalization D^{-1/2} (A+I) D^{-1/2}
    deg = jnp.zeros((n,), dtype=x.dtype).at[dst].add(1.0)
    deg_inv_sqrt = jnp.where(deg > 0, jax.lax.rsqrt(deg), 0.0)
    norm = deg_inv_sqrt[src] * deg_inv_sqrt[dst]
    h = x @ W
    msg = h[src] * norm[:, None]
    out = jnp.zeros((n, W.shape[1]), dtype=x.dtype).at[dst].add(msg)
    return out + b


def reference(features, edge_index, W1, b1, W2, b2):
    # GraphSAGENet.forward (eval mode: dropout = identity)
    x = _gcn_conv(features, edge_index, W1, b1)
    x = jax.nn.relu(x)
    # dpt2 is identity in eval
    x = _gcn_conv(x, edge_index, W2, b2)
    return x

if __name__ == "__main__":
    import jax
    _d = setup_inputs()
    print(jax.jit(kernel)(*tuple(_d.values())))

</pallas_src>

<mosaic_0001>
#map = affine_map<(d0, d1) -> (0, 0)>
#map1 = affine_map<(d0, d1) -> (0, 0, 0, 0)>
#map2 = affine_map<(d0, d1) -> (0, 0, 0)>
module attributes {stable_mosaic.version = 14 : i64} {
  func.func @scat_call(%arg0: i32, %arg1: i32, %arg2: memref<10000x128xf32, #tpu.memory_space<hbm>>, %arg3: memref<2x16x80x128xi32, #tpu.memory_space<hbm>>, %arg4: memref<2x16x80x128xi32, #tpu.memory_space<hbm>>, %arg5: memref<640x128xf32, #tpu.memory_space<hbm>>, %arg6: memref<2x10240x128xf32, #tpu.memory_space<hbm>>, %arg7: memref<40x128xi32, #tpu.memory_space<vmem>>, %arg8: memref<40x128xi32, #tpu.memory_space<vmem>>, %arg9: memref<128x128xf32, #tpu.memory_space<vmem>>, %arg10: memref<128x128xf32, #tpu.memory_space<vmem>>, %arg11: memref<10240x128xf32, #tpu.memory_space<vmem_shared>>, %arg12: memref<!tpu.dma_semaphore, #tpu.memory_space<semaphore_mem>>, %arg13: memref<!tpu.dma_semaphore, #tpu.memory_space<semaphore_mem>>) attributes {dimension_semantics = [#tpu.dimension_semantics<core_parallel>, #tpu.dimension_semantics<subcore_parallel>], iteration_bounds = array<i64: 2, 16>, scalar_prefetch = 0 : i64, scratch_operands = 7 : i64, tpu.core_type = #tpu.core_type<sc_vector_subcore>, window_params = [{transform_indices = #map}, {transform_indices = #map1}, {transform_indices = #map1}, {transform_indices = #map}, {transform_indices = #map2}]} {
    %mul3A = arith.constant 640 : i32
    %mul3A_0 = arith.muli %arg1, %mul3A : i32
    "tpu.region"() ({
      %run_scoped3A_36 = tpu.sem_alloc : memref<!tpu.dma_semaphore, #tpu.memory_space<semaphore_mem>>
      %dma_start3A_37 = arith.constant 0 : i32
      %dma_start3A_38 = tpu.memref_slice %arg11[%mul3A_0, %dma_start3A_37] : memref<10240x128xf32, #tpu.memory_space<vmem_shared>> -> memref<640x128xf32, #tpu.memory_space<vmem_shared>>
      tpu.enqueue_dma source(%arg5 : memref<640x128xf32, #tpu.memory_space<hbm>>) target(%dma_start3A_38 : memref<640x128xf32, #tpu.memory_space<vmem_shared>>) target_semaphore(%run_scoped3A_36 : memref<!tpu.dma_semaphore, #tpu.memory_space<semaphore_mem>>)
      %dma_wait3A_39 = arith.constant 0 : i32
      %dma_wait3A_40 = tpu.memref_slice %arg11[%mul3A_0, %dma_wait3A_39] : memref<10240x128xf32, #tpu.memory_space<vmem_shared>> -> memref<640x128xf32, #tpu.memory_space<vmem_shared>>
      tpu.wait_dma2 semaphore(%run_scoped3A_36 : memref<!tpu.dma_semaphore, #tpu.memory_space<semaphore_mem>>) src(%arg5 : memref<640x128xf32, #tpu.memory_space<hbm>>) dst(%dma_wait3A_40 : memref<640x128xf32, #tpu.memory_space<vmem_shared>>)
      tpu.yield
    }) : () -> ()
    %barrier3A = arith.constant 0 : index
    tpu.barrier barrier_id(%barrier3A)
    "tpu.region"() ({
      %run_scoped3A_36 = tpu.sem_alloc : memref<!tpu.dma_semaphore, #tpu.memory_space<semaphore_mem>>
      %dma_start3A_37 = arith.constant 0 : i32
      %dma_start3A_38 = arith.constant 0 : i32
      %dma_start3A_39 = tpu.memref_slice %arg3[%arg0, %arg1, %dma_start3A_37, %dma_start3A_38] : memref<2x16x80x128xi32, #tpu.memory_space<hbm>> -> memref<1x1x40x128xi32, #tpu.memory_space<hbm>>
      %dma_start3A_40 = tpu.memref_squeeze %dma_start3A_39 : memref<1x1x40x128xi32, #tpu.memory_space<hbm>> -> memref<40x128xi32, #tpu.memory_space<hbm>>
      %dma_start3A_41 = arith.constant 0 : i32
      %dma_start3A_42 = arith.constant 0 : i32
      %dma_start3A_43 = tpu.memref_slice %arg3[%arg0, %arg1, %dma_start3A_41, %dma_start3A_42] : memref<2x16x80x128xi32, #tpu.memory_space<hbm>> -> memref<1x1x40x128xi32, #tpu.memory_space<hbm>>
      %dma_start3A_44 = tpu.memref_squeeze %dma_start3A_43 : memref<1x1x40x128xi32, #tpu.memory_space<hbm>> -> memref<40x128xi32, #tpu.memory_space<hbm>>
      tpu.enqueue_dma source(%dma_start3A_44 : memref<40x128xi32, #tpu.memory_space<hbm>>) target(%arg7 : memref<40x128xi32, #tpu.memory_space<vmem>>) target_semaphore(%run_scoped3A_36 : memref<!tpu.dma_semaphore, #tpu.memory_space<semaphore_mem>>)
      %dma_wait3A_45 = arith.constant 0 : i32
      %dma_wait3A_46 = arith.constant 0 : i32
      %dma_wait3A_47 = tpu.memref_slice %arg3[%arg0, %arg1, %dma_wait3A_45, %dma_wait3A_46] : memref<2x16x80x128xi32, #tpu.memory_space<hbm>> -> memref<1x1x40x128xi32, #tpu.memory_space<hbm>>
      %dma_wait3A_48 = tpu.memref_squeeze %dma_wait3A_47 : memref<1x1x40x128xi32, #tpu.memory_space<hbm>> -> memref<40x128xi32, #tpu.memory_space<hbm>>
      %dma_wait3A_49 = arith.constant 0 : i32
      %dma_wait3A_50 = arith.constant 0 : i32
      %dma_wait3A_51 = tpu.memref_slice %arg3[%arg0, %arg1, %dma_wait3A_49, %dma_wait3A_50] : memref<2x16x80x128xi32, #tpu.memory_space<hbm>> -> memref<1x1x40x128xi32, #tpu.memory_space<hbm>>
      %dma_wait3A_52 = tpu.memref_squeeze %dma_wait3A_51 : memref<1x1x40x128xi32, #tpu.memory_space<hbm>> -> memref<40x128xi32, #tpu.memory_space<hbm>>
      tpu.wait_dma2 semaphore(%run_scoped3A_36 : memref<!tpu.dma_semaphore, #tpu.memory_space<semaphore_mem>>) src(%dma_wait3A_52 : memref<40x128xi32, #tpu.memory_space<hbm>>) dst(%arg7 : memref<40x128xi32, #tpu.memory_space<vmem>>)
      tpu.yield
    }) : () -> ()
    "tpu.region"() ({
      %run_scoped3A_36 = tpu.sem_alloc : memref<!tpu.dma_semaphore, #tpu.memory_space<semaphore_mem>>
      %dma_start3A_37 = arith.constant 0 : i32
      %dma_start3A_38 = arith.constant 0 : i32
      %dma_start3A_39 = tpu.memref_slice %arg4[%arg0, %arg1, %dma_start3A_37, %dma_start3A_38] : memref<2x16x80x128xi32, #tpu.memory_space<hbm>> -> memref<1x1x40x128xi32, #tpu.memory_space<hbm>>
      %dma_start3A_40 = tpu.memref_squeeze %dma_start3A_39 : memref<1x1x40x128xi32, #tpu.memory_space<hbm>> -> memref<40x128xi32, #tpu.memory_space<hbm>>
      %dma_start3A_41 = arith.constant 0 : i32
      %dma_start3A_42 = arith.constant 0 : i32
      %dma_start3A_43 = tpu.memref_slice %arg4[%arg0, %arg1, %dma_start3A_41, %dma_start3A_42] : memref<2x16x80x128xi32, #tpu.memory_space<hbm>> -> memref<1x1x40x128xi32, #tpu.memory_space<hbm>>
      %dma_start3A_44 = tpu.memref_squeeze %dma_start3A_43 : memref<1x1x40x128xi32, #tpu.memory_space<hbm>> -> memref<40x128xi32, #tpu.memory_space<hbm>>
      tpu.enqueue_dma source(%dma_start3A_44 : memref<40x128xi32, #tpu.memory_space<hbm>>) target(%arg8 : memref<40x128xi32, #tpu.memory_space<vmem>>) target_semaphore(%run_scoped3A_36 : memref<!tpu.dma_semaphore, #tpu.memory_space<semaphore_mem>>)
      %dma_wait3A_45 = arith.constant 0 : i32
      %dma_wait3A_46 = arith.constant 0 : i32
      %dma_wait3A_47 = tpu.memref_slice %arg4[%arg0, %arg1, %dma_wait3A_45, %dma_wait3A_46] : memref<2x16x80x128xi32, #tpu.memory_space<hbm>> -> memref<1x1x40x128xi32, #tpu.memory_space<hbm>>
      %dma_wait3A_48 = tpu.memref_squeeze %dma_wait3A_47 : memref<1x1x40x128xi32, #tpu.memory_space<hbm>> -> memref<40x128xi32, #tpu.memory_space<hbm>>
      %dma_wait3A_49 = arith.constant 0 : i32
      %dma_wait3A_50 = arith.constant 0 : i32
      %dma_wait3A_51 = tpu.memref_slice %arg4[%arg0, %arg1, %dma_wait3A_49, %dma_wait3A_50] : memref<2x16x80x128xi32, #tpu.memory_space<hbm>> -> memref<1x1x40x128xi32, #tpu.memory_space<hbm>>
      %dma_wait3A_52 = tpu.memref_squeeze %dma_wait3A_51 : memref<1x1x40x128xi32, #tpu.memory_space<hbm>> -> memref<40x128xi32, #tpu.memory_space<hbm>>
      tpu.wait_dma2 semaphore(%run_scoped3A_36 : memref<!tpu.dma_semaphore, #tpu.memory_space<semaphore_mem>>) src(%dma_wait3A_52 : memref<40x128xi32, #tpu.memory_space<hbm>>) dst(%arg8 : memref<40x128xi32, #tpu.memory_space<vmem>>)
      tpu.yield
    }) : () -> ()
    %dma_start3A = arith.constant 0 : i32
    %dma_start3A_1 = arith.constant 0 : i32
    %dma_start3A_2 = tpu.memref_slice %arg7[%dma_start3A, %dma_start3A_1] : memref<40x128xi32, #tpu.memory_space<vmem>> -> memref<1x128xi32, #tpu.memory_space<vmem>>
    %dma_start3A_3 = tpu.memref_squeeze %dma_start3A_2 : memref<1x128xi32, #tpu.memory_space<vmem>> -> memref<128xi32, #tpu.memory_space<vmem>>
    %dma_start3A_4 = arith.constant 0 : i32
    %dma_start3A_5 = arith.constant 0 : i32
    %dma_start3A_6 = tpu.memref_slice %arg2[%dma_start3A_4, %dma_start3A_5] : memref<10000x128xf32, #tpu.memory_space<hbm>> -> memref<10000x128xf32, #tpu.memory_space<hbm>>
    tpu.enqueue_indirect_dma source(%dma_start3A_6 : memref<10000x128xf32, #tpu.memory_space<hbm>>) target(%arg9 : memref<128x128xf32, #tpu.memory_space<vmem>>) offsets(%dma_start3A_3 : memref<128xi32, #tpu.memory_space<vmem>>) semaphore(%arg12 : memref<!tpu.dma_semaphore, #tpu.memory_space<semaphore_mem>>)
    %scan3A = arith.constant 0 : i32
    %scan3A_7 = arith.constant 0 : i32
    %scan3A_8 = arith.constant 20 : i32
    %scan3A_9 = arith.addi %scan3A_7, %scan3A_8 : i32
    %scan3A_10 = arith.constant 1 : i32
    scf.for %scan3A_36 = %scan3A_7 to %scan3A_9 step %scan3A_10  : i32 {
      %mul3A_37 = arith.constant 2 : i32
      %mul3A_38 = arith.muli %mul3A_37, %scan3A_36 : i32
      %mul3A_39 = arith.constant 2 : i32
      %mul3A_40 = arith.muli %mul3A_39, %scan3A_36 : i32
      %add3A = arith.constant 1 : i32
      %add3A_41 = arith.addi %mul3A_40, %add3A : i32
      %dma_wait3A_42 = arith.constant 0 : i32
      %dma_wait3A_43 = tpu.memref_slice %arg7[%mul3A_38, %dma_wait3A_42] : memref<40x128xi32, #tpu.memory_space<vmem>> -> memref<1x128xi32, #tpu.memory_space<vmem>>
      %dma_wait3A_44 = tpu.memref_squeeze %dma_wait3A_43 : memref<1x128xi32, #tpu.memory_space<vmem>> -> memref<128xi32, #tpu.memory_space<vmem>>
      %dma_wait3A_45 = arith.constant 0 : i32
      %dma_wait3A_46 = arith.constant 0 : i32
      %dma_wait3A_47 = tpu.memref_slice %arg2[%dma_wait3A_45, %dma_wait3A_46] : memref<10000x128xf32, #tpu.memory_space<hbm>> -> memref<10000x128xf32, #tpu.memory_space<hbm>>
      tpu.wait_indirect_dma semaphore(%arg12 : memref<!tpu.dma_semaphore, #tpu.memory_space<semaphore_mem>>) src(%dma_wait3A_47 : memref<10000x128xf32, #tpu.memory_space<hbm>>) dst(%arg9 : memref<128x128xf32, #tpu.memory_space<vmem>>)
      %dma_start3A_48 = arith.constant 0 : i32
      %dma_start3A_49 = tpu.memref_slice %arg7[%add3A_41, %dma_start3A_48] : memref<40x128xi32, #tpu.memory_space<vmem>> -> memref<1x128xi32, #tpu.memory_space<vmem>>
      %dma_start3A_50 = tpu.memref_squeeze %dma_start3A_49 : memref<1x128xi32, #tpu.memory_space<vmem>> -> memref<128xi32, #tpu.memory_space<vmem>>
      %dma_start3A_51 = arith.constant 0 : i32
      %dma_start3A_52 = arith.constant 0 : i32
      %dma_start3A_53 = tpu.memref_slice %arg2[%dma_start3A_51, %dma_start3A_52] : memref<10000x128xf32, #tpu.memory_space<hbm>> -> memref<10000x128xf32, #tpu.memory_space<hbm>>
      tpu.enqueue_indirect_dma source(%dma_start3A_53 : memref<10000x128xf32, #tpu.memory_space<hbm>>) target(%arg10 : memref<128x128xf32, #tpu.memory_space<vmem>>) offsets(%dma_start3A_50 : memref<128xi32, #tpu.memory_space<vmem>>) semaphore(%arg13 : memref<!tpu.dma_semaphore, #tpu.memory_space<semaphore_mem>>)
      "tpu.region"() ({
        %run_scoped3A_64 = tpu.sem_alloc : memref<!tpu.dma_semaphore, #tpu.memory_space<semaphore_mem>>
        %dma_start3A_65 = arith.constant 0 : i32
        %dma_start3A_66 = tpu.memref_slice %arg8[%mul3A_38, %dma_start3A_65] : memref<40x128xi32, #tpu.memory_space<vmem>> -> memref<1x128xi32, #tpu.memory_space<vmem>>
        %dma_start3A_67 = tpu.memref_squeeze %dma_start3A_66 : memref<1x128xi32, #tpu.memory_space<vmem>> -> memref<128xi32, #tpu.memory_space<vmem>>
        %dma_start3A_68 = arith.constant 0 : i32
        %dma_start3A_69 = arith.constant 0 : i32
        %dma_start3A_70 = tpu.memref_slice %arg11[%dma_start3A_68, %dma_start3A_69] : memref<10240x128xf32, #tpu.memory_space<vmem_shared>> -> memref<10240x128xf32, #tpu.memory_space<vmem_shared>>
        tpu.enqueue_indirect_dma source(%arg9 : memref<128x128xf32, #tpu.memory_space<vmem>>) target(%dma_start3A_70 : memref<10240x128xf32, #tpu.memory_space<vmem_shared>>) offsets(%dma_start3A_67 : memref<128xi32, #tpu.memory_space<vmem>>) semaphore(%run_scoped3A_64 : memref<!tpu.dma_semaphore, #tpu.memory_space<semaphore_mem>>) {add = true}
        %dma_wait3A_71 = arith.constant 0 : i32
        %dma_wait3A_72 = tpu.memref_slice %arg8[%mul3A_38, %dma_wait3A_71] : memref<40x128xi32, #tpu.memory_space<vmem>> -> memref<1x128xi32, #tpu.memory_space<vmem>>
        %dma_wait3A_73 = tpu.memref_squeeze %dma_wait3A_72 : memref<1x128xi32, #tpu.memory_space<vmem>> -> memref<128xi32, #tpu.memory_space<vmem>>
        %dma_wait3A_74 = arith.constant 0 : i32
        %dma_wait3A_75 = arith.constant 0 : i32
        %dma_wait3A_76 = tpu.memref_slice %arg11[%dma_wait3A_74, %dma_wait3A_75] : memref<10240x128xf32, #tpu.memory_space<vmem_shared>> -> memref<10240x128xf32, #tpu.memory_space<vmem_shared>>
        tpu.wait_indirect_dma semaphore(%run_scoped3A_64 : memref<!tpu.dma_semaphore, #tpu.memory_space<semaphore_mem>>) src(%arg9 : memref<128x128xf32, #tpu.memory_space<vmem>>) dst(%dma_wait3A_76 : memref<10240x128xf32, #tpu.memory_space<vmem_shared>>)
        tpu.yield
      }) : () -> ()
      %dma_wait3A_54 = arith.constant 0 : i32
      %dma_wait3A_55 = tpu.memref_slice %arg7[%add3A_41, %dma_wait3A_54] : memref<40x128xi32, #tpu.memory_space<vmem>> -> memref<1x128xi32, #tpu.memory_space<vmem>>
      %dma_wait3A_56 = tpu.memref_squeeze %dma_wait3A_55 : memref<1x128xi32, #tpu.memory_space<vmem>> -> memref<128xi32, #tpu.memory_space<vmem>>
      %dma_wait3A_57 = arith.constant 0 : i32
      %dma_wait3A_58 = arith.constant 0 : i32
      %dma_wait3A_59 = tpu.memref_slice %arg2[%dma_wait3A_57, %dma_wait3A_58] : memref<10000x128xf32, #tpu.memory_space<hbm>> -> memref<10000x128xf32, #tpu.memory_space<hbm>>
      tpu.wait_indirect_dma semaphore(%arg13 : memref<!tpu.dma_semaphore, #tpu.memory_space<semaphore_mem>>) src(%dma_wait3A_59 : memref<10000x128xf32, #tpu.memory_space<hbm>>) dst(%arg10 : memref<128x128xf32, #tpu.memory_space<vmem>>)
      %add3A_60 = arith.constant 1 : i32
      %add3A_61 = arith.addi %add3A_41, %add3A_60 : i32
      %lt3A = arith.constant 40 : i32
      %lt3A_62 = arith.cmpi slt, %add3A_61, %lt3A : i32
      %convert_element_type3A = arith.extui %lt3A_62 : i1 to i32
      %cond3A = arith.constant 0 : i32
      %cond3A_63 = arith.cmpi ne, %convert_element_type3A, %cond3A : i32
      scf.if %cond3A_63 {
        %add3A_64 = arith.constant 1 : i32
        %add3A_65 = arith.addi %add3A_41, %add3A_64 : i32
        %dma_start3A_66 = arith.constant 0 : i32
        %dma_start3A_67 = tpu.memref_slice %arg7[%add3A_65, %dma_start3A_66] : memref<40x128xi32, #tpu.memory_space<vmem>> -> memref<1x128xi32, #tpu.memory_space<vmem>>
        %dma_start3A_68 = tpu.memref_squeeze %dma_start3A_67 : memref<1x128xi32, #tpu.memory_space<vmem>> -> memref<128xi32, #tpu.memory_space<vmem>>
        %dma_start3A_69 = arith.constant 0 : i32
        %dma_start3A_70 = arith.constant 0 : i32
        %dma_start3A_71 = tpu.memref_slice %arg2[%dma_start3A_69, %dma_start3A_70] : memref<10000x128xf32, #tpu.memory_space<hbm>> -> memref<10000x128xf32, #tpu.memory_space<hbm>>
        tpu.enqueue_indirect_dma source(%dma_start3A_71 : memref<10000x128xf32, #tpu.memory_space<hbm>>) target(%arg9 : memref<128x128xf32, #tpu.memory_space<vmem>>) offsets(%dma_start3A_68 : memref<128xi32, #tpu.memory_space<vmem>>) semaphore(%arg12 : memref<!tpu.dma_semaphore, #tpu.memory_space<semaphore_mem>>)
      } else {
      }
      "tpu.region"() ({
        %run_scoped3A_64 = tpu.sem_alloc : memref<!tpu.dma_semaphore, #tpu.memory_space<semaphore_mem>>
        %dma_start3A_65 = arith.constant 0 : i32
        %dma_start3A_66 = tpu.memref_slice %arg8[%add3A_41, %dma_start3A_65] : memref<40x128xi32, #tpu.memory_space<vmem>> -> memref<1x128xi32, #tpu.memory_space<vmem>>
        %dma_start3A_67 = tpu.memref_squeeze %dma_start3A_66 : memref<1x128xi32, #tpu.memory_space<vmem>> -> memref<128xi32, #tpu.memory_space<vmem>>
        %dma_start3A_68 = arith.constant 0 : i32
        %dma_start3A_69 = arith.constant 0 : i32
        %dma_start3A_70 = tpu.memref_slice %arg11[%dma_start3A_68, %dma_start3A_69] : memref<10240x128xf32, #tpu.memory_space<vmem_shared>> -> memref<10240x128xf32, #tpu.memory_space<vmem_shared>>
        tpu.enqueue_indirect_dma source(%arg10 : memref<128x128xf32, #tpu.memory_space<vmem>>) target(%dma_start3A_70 : memref<10240x128xf32, #tpu.memory_space<vmem_shared>>) offsets(%dma_start3A_67 : memref<128xi32, #tpu.memory_space<vmem>>) semaphore(%run_scoped3A_64 : memref<!tpu.dma_semaphore, #tpu.memory_space<semaphore_mem>>) {add = true}
        %dma_wait3A_71 = arith.constant 0 : i32
        %dma_wait3A_72 = tpu.memref_slice %arg8[%add3A_41, %dma_wait3A_71] : memref<40x128xi32, #tpu.memory_space<vmem>> -> memref<1x128xi32, #tpu.memory_space<vmem>>
        %dma_wait3A_73 = tpu.memref_squeeze %dma_wait3A_72 : memref<1x128xi32, #tpu.memory_space<vmem>> -> memref<128xi32, #tpu.memory_space<vmem>>
        %dma_wait3A_74 = arith.constant 0 : i32
        %dma_wait3A_75 = arith.constant 0 : i32
        %dma_wait3A_76 = tpu.memref_slice %arg11[%dma_wait3A_74, %dma_wait3A_75] : memref<10240x128xf32, #tpu.memory_space<vmem_shared>> -> memref<10240x128xf32, #tpu.memory_space<vmem_shared>>
        tpu.wait_indirect_dma semaphore(%run_scoped3A_64 : memref<!tpu.dma_semaphore, #tpu.memory_space<semaphore_mem>>) src(%arg10 : memref<128x128xf32, #tpu.memory_space<vmem>>) dst(%dma_wait3A_76 : memref<10240x128xf32, #tpu.memory_space<vmem_shared>>)
        tpu.yield
      }) : () -> ()
    }
    %scan3A_11 = arith.constant 20 : i32
    "tpu.region"() ({
      %run_scoped3A_36 = tpu.sem_alloc : memref<!tpu.dma_semaphore, #tpu.memory_space<semaphore_mem>>
      %dma_start3A_37 = arith.constant 40 : i32
      %dma_start3A_38 = arith.constant 0 : i32
      %dma_start3A_39 = tpu.memref_slice %arg3[%arg0, %arg1, %dma_start3A_37, %dma_start3A_38] : memref<2x16x80x128xi32, #tpu.memory_space<hbm>> -> memref<1x1x40x128xi32, #tpu.memory_space<hbm>>
      %dma_start3A_40 = tpu.memref_squeeze %dma_start3A_39 : memref<1x1x40x128xi32, #tpu.memory_space<hbm>> -> memref<40x128xi32, #tpu.memory_space<hbm>>
      %dma_start3A_41 = arith.constant 40 : i32
      %dma_start3A_42 = arith.constant 0 : i32
      %dma_start3A_43 = tpu.memref_slice %arg3[%arg0, %arg1, %dma_start3A_41, %dma_start3A_42] : memref<2x16x80x128xi32, #tpu.memory_space<hbm>> -> memref<1x1x40x128xi32, #tpu.memory_space<hbm>>
      %dma_start3A_44 = tpu.memref_squeeze %dma_start3A_43 : memref<1x1x40x128xi32, #tpu.memory_space<hbm>> -> memref<40x128xi32, #tpu.memory_space<hbm>>
      tpu.enqueue_dma source(%dma_start3A_44 : memref<40x128xi32, #tpu.memory_space<hbm>>) target(%arg7 : memref<40x128xi32, #tpu.memory_space<vmem>>) target_semaphore(%run_scoped3A_36 : memref<!tpu.dma_semaphore, #tpu.memory_space<semaphore_mem>>)
      %dma_wait3A_45 = arith.constant 40 : i32
      %dma_wait3A_46 = arith.constant 0 : i32
      %dma_wait3A_47 = tpu.memref_slice %arg3[%arg0, %arg1, %dma_wait3A_45, %dma_wait3A_46] : memref<2x16x80x128xi32, #tpu.memory_space<hbm>> -> memref<1x1x40x128xi32, #tpu.memory_space<hbm>>
      %dma_wait3A_48 = tpu.memref_squeeze %dma_wait3A_47 : memref<1x1x40x128xi32, #tpu.memory_space<hbm>> -> memref<40x128xi32, #tpu.memory_space<hbm>>
      %dma_wait3A_49 = arith.constant 40 : i32
      %dma_wait3A_50 = arith.constant 0 : i32
      %dma_wait3A_51 = tpu.memref_slice %arg3[%arg0, %arg1, %dma_wait3A_49, %dma_wait3A_50] : memref<2x16x80x128xi32, #tpu.memory_space<hbm>> -> memref<1x1x40x128xi32, #tpu.memory_space<hbm>>
      %dma_wait3A_52 = tpu.memref_squeeze %dma_wait3A_51 : memref<1x1x40x128xi32, #tpu.memory_space<hbm>> -> memref<40x128xi32, #tpu.memory_space<hbm>>
      tpu.wait_dma2 semaphore(%run_scoped3A_36 : memref<!tpu.dma_semaphore, #tpu.memory_space<semaphore_mem>>) src(%dma_wait3A_52 : memref<40x128xi32, #tpu.memory_space<hbm>>) dst(%arg7 : memref<40x128xi32, #tpu.memory_space<vmem>>)
      tpu.yield
    }) : () -> ()
    "tpu.region"() ({
      %run_scoped3A_36 = tpu.sem_alloc : memref<!tpu.dma_semaphore, #tpu.memory_space<semaphore_mem>>
      %dma_start3A_37 = arith.constant 40 : i32
      %dma_start3A_38 = arith.constant 0 : i32
      %dma_start3A_39 = tpu.memref_slice %arg4[%arg0, %arg1, %dma_start3A_37, %dma_start3A_38] : memref<2x16x80x128xi32, #tpu.memory_space<hbm>> -> memref<1x1x40x128xi32, #tpu.memory_space<hbm>>
      %dma_start3A_40 = tpu.memref_squeeze %dma_start3A_39 : memref<1x1x40x128xi32, #tpu.memory_space<hbm>> -> memref<40x128xi32, #tpu.memory_space<hbm>>
      %dma_start3A_41 = arith.constant 40 : i32
      %dma_start3A_42 = arith.constant 0 : i32
      %dma_start3A_43 = tpu.memref_slice %arg4[%arg0, %arg1, %dma_start3A_41, %dma_start3A_42] : memref<2x16x80x128xi32, #tpu.memory_space<hbm>> -> memref<1x1x40x128xi32, #tpu.memory_space<hbm>>
      %dma_start3A_44 = tpu.memref_squeeze %dma_start3A_43 : memref<1x1x40x128xi32, #tpu.memory_space<hbm>> -> memref<40x128xi32, #tpu.memory_space<hbm>>
      tpu.enqueue_dma source(%dma_start3A_44 : memref<40x128xi32, #tpu.memory_space<hbm>>) target(%arg8 : memref<40x128xi32, #tpu.memory_space<vmem>>) target_semaphore(%run_scoped3A_36 : memref<!tpu.dma_semaphore, #tpu.memory_space<semaphore_mem>>)
      %dma_wait3A_45 = arith.constant 40 : i32
      %dma_wait3A_46 = arith.constant 0 : i32
      %dma_wait3A_47 = tpu.memref_slice %arg4[%arg0, %arg1, %dma_wait3A_45, %dma_wait3A_46] : memref<2x16x80x128xi32, #tpu.memory_space<hbm>> -> memref<1x1x40x128xi32, #tpu.memory_space<hbm>>
      %dma_wait3A_48 = tpu.memref_squeeze %dma_wait3A_47 : memref<1x1x40x128xi32, #tpu.memory_space<hbm>> -> memref<40x128xi32, #tpu.memory_space<hbm>>
      %dma_wait3A_49 = arith.constant 40 : i32
      %dma_wait3A_50 = arith.constant 0 : i32
      %dma_wait3A_51 = tpu.memref_slice %arg4[%arg0, %arg1, %dma_wait3A_49, %dma_wait3A_50] : memref<2x16x80x128xi32, #tpu.memory_space<hbm>> -> memref<1x1x40x128xi32, #tpu.memory_space<hbm>>
      %dma_wait3A_52 = tpu.memref_squeeze %dma_wait3A_51 : memref<1x1x40x128xi32, #tpu.memory_space<hbm>> -> memref<40x128xi32, #tpu.memory_space<hbm>>
      tpu.wait_dma2 semaphore(%run_scoped3A_36 : memref<!tpu.dma_semaphore, #tpu.memory_space<semaphore_mem>>) src(%dma_wait3A_52 : memref<40x128xi32, #tpu.memory_space<hbm>>) dst(%arg8 : memref<40x128xi32, #tpu.memory_space<vmem>>)
      tpu.yield
    }) : () -> ()
    %dma_start3A_12 = arith.constant 0 : i32
    %dma_start3A_13 = arith.constant 0 : i32
    %dma_start3A_14 = tpu.memref_slice %arg7[%dma_start3A_12, %dma_start3A_13] : memref<40x128xi32, #tpu.memory_space<vmem>> -> memref<1x128xi32, #tpu.memory_space<vmem>>
    %dma_start3A_15 = tpu.memref_squeeze %dma_start3A_14 : memref<1x128xi32, #tpu.memory_space<vmem>> -> memref<128xi32, #tpu.memory_space<vmem>>
    %dma_start3A_16 = arith.constant 0 : i32
    %dma_start3A_17 = arith.constant 0 : i32
    %dma_start3A_18 = tpu.memref_slice %arg2[%dma_start3A_16, %dma_start3A_17] : memref<10000x128xf32, #tpu.memory_space<hbm>> -> memref<10000x128xf32, #tpu.memory_space<hbm>>
    tpu.enqueue_indirect_dma source(%dma_start3A_18 : memref<10000x128xf32, #tpu.memory_space<hbm>>) target(%arg9 : memref<128x128xf32, #tpu.memory_space<vmem>>) offsets(%dma_start3A_15 : memref<128xi32, #tpu.memory_space<vmem>>) semaphore(%arg12 : memref<!tpu.dma_semaphore, #tpu.memory_space<semaphore_mem>>)
    %scan3A_19 = arith.constant 0 : i32
    %scan3A_20 = arith.constant 0 : i32
    %scan3A_21 = arith.constant 19 : i32
    %scan3A_22 = arith.addi %scan3A_20, %scan3A_21 : i32
    %scan3A_23 = arith.constant 1 : i32
    scf.for %scan3A_36 = %scan3A_20 to %scan3A_22 step %scan3A_23  : i32 {
      %mul3A_37 = arith.constant 2 : i32
      %mul3A_38 = arith.muli %mul3A_37, %scan3A_36 : i32
      %mul3A_39 = arith.constant 2 : i32
      %mul3A_40 = arith.muli %mul3A_39, %scan3A_36 : i32
      %add3A = arith.constant 1 : i32
      %add3A_41 = arith.addi %mul3A_40, %add3A : i32
      %dma_wait3A_42 = arith.constant 0 : i32
      %dma_wait3A_43 = tpu.memref_slice %arg7[%mul3A_38, %dma_wait3A_42] : memref<40x128xi32, #tpu.memory_space<vmem>> -> memref<1x128xi32, #tpu.memory_space<vmem>>
      %dma_wait3A_44 = tpu.memref_squeeze %dma_wait3A_43 : memref<1x128xi32, #tpu.memory_space<vmem>> -> memref<128xi32, #tpu.memory_space<vmem>>
      %dma_wait3A_45 = arith.constant 0 : i32
      %dma_wait3A_46 = arith.constant 0 : i32
      %dma_wait3A_47 = tpu.memref_slice %arg2[%dma_wait3A_45, %dma_wait3A_46] : memref<10000x128xf32, #tpu.memory_space<hbm>> -> memref<10000x128xf32, #tpu.memory_space<hbm>>
      tpu.wait_indirect_dma semaphore(%arg12 : memref<!tpu.dma_semaphore, #tpu.memory_space<semaphore_mem>>) src(%dma_wait3A_47 : memref<10000x128xf32, #tpu.memory_space<hbm>>) dst(%arg9 : memref<128x128xf32, #tpu.memory_space<vmem>>)
      %dma_start3A_48 = arith.constant 0 : i32
      %dma_start3A_49 = tpu.memref_slice %arg7[%add3A_41, %dma_start3A_48] : memref<40x128xi32, #tpu.memory_space<vmem>> -> memref<1x128xi32, #tpu.memory_space<vmem>>
      %dma_start3A_50 = tpu.memref_squeeze %dma_start3A_49 : memref<1x128xi32, #tpu.memory_space<vmem>> -> memref<128xi32, #tpu.memory_space<vmem>>
      %dma_start3A_51 = arith.constant 0 : i32
      %dma_start3A_52 = arith.constant 0 : i32
      %dma_start3A_53 = tpu.memref_slice %arg2[%dma_start3A_51, %dma_start3A_52] : memref<10000x128xf32, #tpu.memory_space<hbm>> -> memref<10000x128xf32, #tpu.memory_space<hbm>>
      tpu.enqueue_indirect_dma source(%dma_start3A_53 : memref<10000x128xf32, #tpu.memory_space<hbm>>) target(%arg10 : memref<128x128xf32, #tpu.memory_space<vmem>>) offsets(%dma_start3A_50 : memref<128xi32, #tpu.memory_space<vmem>>) semaphore(%arg13 : memref<!tpu.dma_semaphore, #tpu.memory_space<semaphore_mem>>)
      "tpu.region"() ({
        %run_scoped3A_64 = tpu.sem_alloc : memref<!tpu.dma_semaphore, #tpu.memory_space<semaphore_mem>>
        %dma_start3A_65 = arith.constant 0 : i32
        %dma_start3A_66 = tpu.memref_slice %arg8[%mul3A_38, %dma_start3A_65] : memref<40x128xi32, #tpu.memory_space<vmem>> -> memref<1x128xi32, #tpu.memory_space<vmem>>
        %dma_start3A_67 = tpu.memref_squeeze %dma_start3A_66 : memref<1x128xi32, #tpu.memory_space<vmem>> -> memref<128xi32, #tpu.memory_space<vmem>>
        %dma_start3A_68 = arith.constant 0 : i32
        %dma_start3A_69 = arith.constant 0 : i32
        %dma_start3A_70 = tpu.memref_slice %arg11[%dma_start3A_68, %dma_start3A_69] : memref<10240x128xf32, #tpu.memory_space<vmem_shared>> -> memref<10240x128xf32, #tpu.memory_space<vmem_shared>>
        tpu.enqueue_indirect_dma source(%arg9 : memref<128x128xf32, #tpu.memory_space<vmem>>) target(%dma_start3A_70 : memref<10240x128xf32, #tpu.memory_space<vmem_shared>>) offsets(%dma_start3A_67 : memref<128xi32, #tpu.memory_space<vmem>>) semaphore(%run_scoped3A_64 : memref<!tpu.dma_semaphore, #tpu.memory_space<semaphore_mem>>) {add = true}
        %dma_wait3A_71 = arith.constant 0 : i32
        %dma_wait3A_72 = tpu.memref_slice %arg8[%mul3A_38, %dma_wait3A_71] : memref<40x128xi32, #tpu.memory_space<vmem>> -> memref<1x128xi32, #tpu.memory_space<vmem>>
        %dma_wait3A_73 = tpu.memref_squeeze %dma_wait3A_72 : memref<1x128xi32, #tpu.memory_space<vmem>> -> memref<128xi32, #tpu.memory_space<vmem>>
        %dma_wait3A_74 = arith.constant 0 : i32
        %dma_wait3A_75 = arith.constant 0 : i32
        %dma_wait3A_76 = tpu.memref_slice %arg11[%dma_wait3A_74, %dma_wait3A_75] : memref<10240x128xf32, #tpu.memory_space<vmem_shared>> -> memref<10240x128xf32, #tpu.memory_space<vmem_shared>>
        tpu.wait_indirect_dma semaphore(%run_scoped3A_64 : memref<!tpu.dma_semaphore, #tpu.memory_space<semaphore_mem>>) src(%arg9 : memref<128x128xf32, #tpu.memory_space<vmem>>) dst(%dma_wait3A_76 : memref<10240x128xf32, #tpu.memory_space<vmem_shared>>)
        tpu.yield
      }) : () -> ()
      %dma_wait3A_54 = arith.constant 0 : i32
      %dma_wait3A_55 = tpu.memref_slice %arg7[%add3A_41, %dma_wait3A_54] : memref<40x128xi32, #tpu.memory_space<vmem>> -> memref<1x128xi32, #tpu.memory_space<vmem>>
      %dma_wait3A_56 = tpu.memref_squeeze %dma_wait3A_55 : memref<1x128xi32, #tpu.memory_space<vmem>> -> memref<128xi32, #tpu.memory_space<vmem>>
      %dma_wait3A_57 = arith.constant 0 : i32
      %dma_wait3A_58 = arith.constant 0 : i32
      %dma_wait3A_59 = tpu.memref_slice %arg2[%dma_wait3A_57, %dma_wait3A_58] : memref<10000x128xf32, #tpu.memory_space<hbm>> -> memref<10000x128xf32, #tpu.memory_space<hbm>>
      tpu.wait_indirect_dma semaphore(%arg13 : memref<!tpu.dma_semaphore, #tpu.memory_space<semaphore_mem>>) src(%dma_wait3A_59 : memref<10000x128xf32, #tpu.memory_space<hbm>>) dst(%arg10 : memref<128x128xf32, #tpu.memory_space<vmem>>)
      %add3A_60 = arith.constant 1 : i32
      %add3A_61 = arith.addi %add3A_41, %add3A_60 : i32
      %lt3A = arith.constant 39 : i32
      %lt3A_62 = arith.cmpi slt, %add3A_61, %lt3A : i32
      %convert_element_type3A = arith.extui %lt3A_62 : i1 to i32
      %cond3A = arith.constant 0 : i32
      %cond3A_63 = arith.cmpi ne, %convert_element_type3A, %cond3A : i32
      scf.if %cond3A_63 {
        %add3A_64 = arith.constant 1 : i32
        %add3A_65 = arith.addi %add3A_41, %add3A_64 : i32
        %dma_start3A_66 = arith.constant 0 : i32
        %dma_start3A_67 = tpu.memref_slice %arg7[%add3A_65, %dma_start3A_66] : memref<40x128xi32, #tpu.memory_space<vmem>> -> memref<1x128xi32, #tpu.memory_space<vmem>>
        %dma_start3A_68 = tpu.memref_squeeze %dma_start3A_67 : memref<1x128xi32, #tpu.memory_space<vmem>> -> memref<128xi32, #tpu.memory_space<vmem>>
        %dma_start3A_69 = arith.constant 0 : i32
        %dma_start3A_70 = arith.constant 0 : i32
        %dma_start3A_71 = tpu.memref_slice %arg2[%dma_start3A_69, %dma_start3A_70] : memref<10000x128xf32, #tpu.memory_space<hbm>> -> memref<10000x128xf32, #tpu.memory_space<hbm>>
        tpu.enqueue_indirect_dma source(%dma_start3A_71 : memref<10000x128xf32, #tpu.memory_space<hbm>>) target(%arg9 : memref<128x128xf32, #tpu.memory_space<vmem>>) offsets(%dma_start3A_68 : memref<128xi32, #tpu.memory_space<vmem>>) semaphore(%arg12 : memref<!tpu.dma_semaphore, #tpu.memory_space<semaphore_mem>>)
      } else {
      }
      "tpu.region"() ({
        %run_scoped3A_64 = tpu.sem_alloc : memref<!tpu.dma_semaphore, #tpu.memory_space<semaphore_mem>>
        %dma_start3A_65 = arith.constant 0 : i32
        %dma_start3A_66 = tpu.memref_slice %arg8[%add3A_41, %dma_start3A_65] : memref<40x128xi32, #tpu.memory_space<vmem>> -> memref<1x128xi32, #tpu.memory_space<vmem>>
        %dma_start3A_67 = tpu.memref_squeeze %dma_start3A_66 : memref<1x128xi32, #tpu.memory_space<vmem>> -> memref<128xi32, #tpu.memory_space<vmem>>
        %dma_start3A_68 = arith.constant 0 : i32
        %dma_start3A_69 = arith.constant 0 : i32
        %dma_start3A_70 = tpu.memref_slice %arg11[%dma_start3A_68, %dma_start3A_69] : memref<10240x128xf32, #tpu.memory_space<vmem_shared>> -> memref<10240x128xf32, #tpu.memory_space<vmem_shared>>
        tpu.enqueue_indirect_dma source(%arg10 : memref<128x128xf32, #tpu.memory_space<vmem>>) target(%dma_start3A_70 : memref<10240x128xf32, #tpu.memory_space<vmem_shared>>) offsets(%dma_start3A_67 : memref<128xi32, #tpu.memory_space<vmem>>) semaphore(%run_scoped3A_64 : memref<!tpu.dma_semaphore, #tpu.memory_space<semaphore_mem>>) {add = true}
        %dma_wait3A_71 = arith.constant 0 : i32
        %dma_wait3A_72 = tpu.memref_slice %arg8[%add3A_41, %dma_wait3A_71] : memref<40x128xi32, #tpu.memory_space<vmem>> -> memref<1x128xi32, #tpu.memory_space<vmem>>
        %dma_wait3A_73 = tpu.memref_squeeze %dma_wait3A_72 : memref<1x128xi32, #tpu.memory_space<vmem>> -> memref<128xi32, #tpu.memory_space<vmem>>
        %dma_wait3A_74 = arith.constant 0 : i32
        %dma_wait3A_75 = arith.constant 0 : i32
        %dma_wait3A_76 = tpu.memref_slice %arg11[%dma_wait3A_74, %dma_wait3A_75] : memref<10240x128xf32, #tpu.memory_space<vmem_shared>> -> memref<10240x128xf32, #tpu.memory_space<vmem_shared>>
        tpu.wait_indirect_dma semaphore(%run_scoped3A_64 : memref<!tpu.dma_semaphore, #tpu.memory_space<semaphore_mem>>) src(%arg10 : memref<128x128xf32, #tpu.memory_space<vmem>>) dst(%dma_wait3A_76 : memref<10240x128xf32, #tpu.memory_space<vmem_shared>>)
        tpu.yield
      }) : () -> ()
    }
    %scan3A_24 = arith.constant 19 : i32
    %dma_wait3A = arith.constant 38 : i32
    %dma_wait3A_25 = arith.constant 0 : i32
    %dma_wait3A_26 = tpu.memref_slice %arg7[%dma_wait3A, %dma_wait3A_25] : memref<40x128xi32, #tpu.memory_space<vmem>> -> memref<1x128xi32, #tpu.memory_space<vmem>>
    %dma_wait3A_27 = tpu.memref_squeeze %dma_wait3A_26 : memref<1x128xi32, #tpu.memory_space<vmem>> -> memref<128xi32, #tpu.memory_space<vmem>>
    %dma_wait3A_28 = arith.constant 0 : i32
    %dma_wait3A_29 = arith.constant 0 : i32
    %dma_wait3A_30 = tpu.memref_slice %arg2[%dma_wait3A_28, %dma_wait3A_29] : memref<10000x128xf32, #tpu.memory_space<hbm>> -> memref<10000x128xf32, #tpu.memory_space<hbm>>
    tpu.wait_indirect_dma semaphore(%arg12 : memref<!tpu.dma_semaphore, #tpu.memory_space<semaphore_mem>>) src(%dma_wait3A_30 : memref<10000x128xf32, #tpu.memory_space<hbm>>) dst(%arg9 : memref<128x128xf32, #tpu.memory_space<vmem>>)
    %run_scoped3A = arith.constant 38 : i32
    "tpu.region"() ({
      %run_scoped3A_36 = tpu.sem_alloc : memref<!tpu.dma_semaphore, #tpu.memory_space<semaphore_mem>>
      %dma_start3A_37 = arith.constant 0 : i32
      %dma_start3A_38 = tpu.memref_slice %arg8[%run_scoped3A, %dma_start3A_37] : memref<40x128xi32, #tpu.memory_space<vmem>> -> memref<1x128xi32, #tpu.memory_space<vmem>>
      %dma_start3A_39 = tpu.memref_squeeze %dma_start3A_38 : memref<1x128xi32, #tpu.memory_space<vmem>> -> memref<128xi32, #tpu.memory_space<vmem>>
      %dma_start3A_40 = arith.constant 0 : i32
      %dma_start3A_41 = arith.constant 0 : i32
      %dma_start3A_42 = tpu.memref_slice %arg11[%dma_start3A_40, %dma_start3A_41] : memref<10240x128xf32, #tpu.memory_space<vmem_shared>> -> memref<10240x128xf32, #tpu.memory_space<vmem_shared>>
      tpu.enqueue_indirect_dma source(%arg9 : memref<128x128xf32, #tpu.memory_space<vmem>>) target(%dma_start3A_42 : memref<10240x128xf32, #tpu.memory_space<vmem_shared>>) offsets(%dma_start3A_39 : memref<128xi32, #tpu.memory_space<vmem>>) semaphore(%run_scoped3A_36 : memref<!tpu.dma_semaphore, #tpu.memory_space<semaphore_mem>>) {add = true}
      %dma_wait3A_43 = arith.constant 0 : i32
      %dma_wait3A_44 = tpu.memref_slice %arg8[%run_scoped3A, %dma_wait3A_43] : memref<40x128xi32, #tpu.memory_space<vmem>> -> memref<1x128xi32, #tpu.memory_space<vmem>>
      %dma_wait3A_45 = tpu.memref_squeeze %dma_wait3A_44 : memref<1x128xi32, #tpu.memory_space<vmem>> -> memref<128xi32, #tpu.memory_space<vmem>>
      %dma_wait3A_46 = arith.constant 0 : i32
      %dma_wait3A_47 = arith.constant 0 : i32
      %dma_wait3A_48 = tpu.memref_slice %arg11[%dma_wait3A_46, %dma_wait3A_47] : memref<10240x128xf32, #tpu.memory_space<vmem_shared>> -> memref<10240x128xf32, #tpu.memory_space<vmem_shared>>
      tpu.wait_indirect_dma semaphore(%run_scoped3A_36 : memref<!tpu.dma_semaphore, #tpu.memory_space<semaphore_mem>>) src(%arg9 : memref<128x128xf32, #tpu.memory_space<vmem>>) dst(%dma_wait3A_48 : memref<10240x128xf32, #tpu.memory_space<vmem_shared>>)
      tpu.yield
    }) : () -> ()
    %barrier3A_31 = arith.constant 0 : index
    tpu.barrier barrier_id(%barrier3A_31)
    %mul3A_32 = arith.constant 640 : i32
    %mul3A_33 = arith.muli %arg1, %mul3A_32 : i32
    %mul3A_34 = arith.constant 640 : i32
    %mul3A_35 = arith.muli %arg1, %mul3A_34 : i32
    "tpu.region"() ({
      %run_scoped3A_36 = tpu.sem_alloc : memref<!tpu.dma_semaphore, #tpu.memory_space<semaphore_mem>>
      %dma_start3A_37 = arith.constant 0 : i32
      %dma_start3A_38 = tpu.memref_slice %arg6[%arg0, %mul3A_35, %dma_start3A_37] : memref<2x10240x128xf32, #tpu.memory_space<hbm>> -> memref<1x640x128xf32, #tpu.memory_space<hbm>>
      %dma_start3A_39 = tpu.memref_squeeze %dma_start3A_38 : memref<1x640x128xf32, #tpu.memory_space<hbm>> -> memref<640x128xf32, #tpu.memory_space<hbm>>
      %dma_start3A_40 = arith.constant 0 : i32
      %dma_start3A_41 = tpu.memref_slice %arg11[%mul3A_33, %dma_start3A_40] : memref<10240x128xf32, #tpu.memory_space<vmem_shared>> -> memref<640x128xf32, #tpu.memory_space<vmem_shared>>
      tpu.enqueue_dma source(%dma_start3A_41 : memref<640x128xf32, #tpu.memory_space<vmem_shared>>) target(%dma_start3A_39 : memref<640x128xf32, #tpu.memory_space<hbm>>) target_semaphore(%run_scoped3A_36 : memref<!tpu.dma_semaphore, #tpu.memory_space<semaphore_mem>>)
      %dma_wait3A_42 = arith.constant 0 : i32
      %dma_wait3A_43 = tpu.memref_slice %arg6[%arg0, %mul3A_35, %dma_wait3A_42] : memref<2x10240x128xf32, #tpu.memory_space<hbm>> -> memref<1x640x128xf32, #tpu.memory_space<hbm>>
      %dma_wait3A_44 = tpu.memref_squeeze %dma_wait3A_43 : memref<1x640x128xf32, #tpu.memory_space<hbm>> -> memref<640x128xf32, #tpu.memory_space<hbm>>
      %dma_wait3A_45 = arith.constant 0 : i32
      %dma_wait3A_46 = tpu.memref_slice %arg11[%mul3A_33, %dma_wait3A_45] : memref<10240x128xf32, #tpu.memory_space<vmem_shared>> -> memref<640x128xf32, #tpu.memory_space<vmem_shared>>
      tpu.wait_dma2 semaphore(%run_scoped3A_36 : memref<!tpu.dma_semaphore, #tpu.memory_space<semaphore_mem>>) src(%dma_wait3A_46 : memref<640x128xf32, #tpu.memory_space<vmem_shared>>) dst(%dma_wait3A_44 : memref<640x128xf32, #tpu.memory_space<hbm>>)
      tpu.yield
    }) : () -> ()
    return
  }
}

#map = affine_map<(d0, d1) -> (0, 0, 0, 0)>
#map1 = affine_map<(d0, d1) -> (0, 0)>
#map2 = affine_map<(d0, d1) -> (0, 0, 0)>
module attributes {stable_mosaic.version = 14 : i64} {
  func.func @deg_call(%arg0: i32, %arg1: i32, %arg2: memref<2x16x79x128xi32, #tpu.memory_space<hbm>>, %arg3: memref<640x128xf32, #tpu.memory_space<hbm>>, %arg4: memref<128x128xf32, #tpu.memory_space<hbm>>, %arg5: memref<2x10240x128xf32, #tpu.memory_space<hbm>>, %arg6: memref<79x128xi32, #tpu.memory_space<vmem>>, %arg7: memref<128x128xf32, #tpu.memory_space<vmem>>, %arg8: memref<10240x128xf32, #tpu.memory_space<vmem_shared>>) attributes {dimension_semantics = [#tpu.dimension_semantics<core_parallel>, #tpu.dimension_semantics<subcore_parallel>], iteration_bounds = array<i64: 2, 16>, scalar_prefetch = 0 : i64, scratch_operands = 3 : i64, tpu.core_type = #tpu.core_type<sc_vector_subcore>, window_params = [{transform_indices = #map}, {transform_indices = #map1}, {transform_indices = #map1}, {transform_indices = #map2}]} {
    %mul3A = arith.constant 640 : i32
    %mul3A_0 = arith.muli %arg1, %mul3A : i32
    "tpu.region"() ({
      %run_scoped3A = tpu.sem_alloc : memref<!tpu.dma_semaphore, #tpu.memory_space<semaphore_mem>>
      %dma_start3A = arith.constant 0 : i32
      %dma_start3A_11 = tpu.memref_slice %arg8[%mul3A_0, %dma_start3A] : memref<10240x128xf32, #tpu.memory_space<vmem_shared>> -> memref<640x128xf32, #tpu.memory_space<vmem_shared>>
      tpu.enqueue_dma source(%arg3 : memref<640x128xf32, #tpu.memory_space<hbm>>) target(%dma_start3A_11 : memref<640x128xf32, #tpu.memory_space<vmem_shared>>) target_semaphore(%run_scoped3A : memref<!tpu.dma_semaphore, #tpu.memory_space<semaphore_mem>>)
      %dma_wait3A = arith.constant 0 : i32
      %dma_wait3A_12 = tpu.memref_slice %arg8[%mul3A_0, %dma_wait3A] : memref<10240x128xf32, #tpu.memory_space<vmem_shared>> -> memref<640x128xf32, #tpu.memory_space<vmem_shared>>
      tpu.wait_dma2 semaphore(%run_scoped3A : memref<!tpu.dma_semaphore, #tpu.memory_space<semaphore_mem>>) src(%arg3 : memref<640x128xf32, #tpu.memory_space<hbm>>) dst(%dma_wait3A_12 : memref<640x128xf32, #tpu.memory_space<vmem_shared>>)
      tpu.yield
    }) : () -> ()
    "tpu.region"() ({
      %run_scoped3A = tpu.sem_alloc : memref<!tpu.dma_semaphore, #tpu.memory_space<semaphore_mem>>
      tpu.enqueue_dma source(%arg4 : memref<128x128xf32, #tpu.memory_space<hbm>>) target(%arg7 : memref<128x128xf32, #tpu.memory_space<vmem>>) target_semaphore(%run_scoped3A : memref<!tpu.dma_semaphore, #tpu.memory_space<semaphore_mem>>)
      tpu.wait_dma2 semaphore(%run_scoped3A : memref<!tpu.dma_semaphore, #tpu.memory_space<semaphore_mem>>) src(%arg4 : memref<128x128xf32, #tpu.memory_space<hbm>>) dst(%arg7 : memref<128x128xf32, #tpu.memory_space<vmem>>)
      tpu.yield
    }) : () -> ()
    "tpu.region"() ({
      %run_scoped3A = tpu.sem_alloc : memref<!tpu.dma_semaphore, #tpu.memory_space<semaphore_mem>>
      %dma_start3A = arith.constant 0 : i32
      %dma_start3A_11 = arith.constant 0 : i32
      %dma_start3A_12 = tpu.memref_slice %arg2[%arg0, %arg1, %dma_start3A, %dma_start3A_11] : memref<2x16x79x128xi32, #tpu.memory_space<hbm>> -> memref<1x1x79x128xi32, #tpu.memory_space<hbm>>
      %dma_start3A_13 = tpu.memref_squeeze %dma_start3A_12 : memref<1x1x79x128xi32, #tpu.memory_space<hbm>> -> memref<79x128xi32, #tpu.memory_space<hbm>>
      %dma_start3A_14 = arith.constant 0 : i32
      %dma_start3A_15 = arith.constant 0 : i32
      %dma_start3A_16 = tpu.memref_slice %arg2[%arg0, %arg1, %dma_start3A_14, %dma_start3A_15] : memref<2x16x79x128xi32, #tpu.memory_space<hbm>> -> memref<1x1x79x128xi32, #tpu.memory_space<hbm>>
      %dma_start3A_17 = tpu.memref_squeeze %dma_start3A_16 : memref<1x1x79x128xi32, #tpu.memory_space<hbm>> -> memref<79x128xi32, #tpu.memory_space<hbm>>
      tpu.enqueue_dma source(%dma_start3A_17 : memref<79x128xi32, #tpu.memory_space<hbm>>) target(%arg6 : memref<79x128xi32, #tpu.memory_space<vmem>>) target_semaphore(%run_scoped3A : memref<!tpu.dma_semaphore, #tpu.memory_space<semaphore_mem>>)
      %dma_wait3A = arith.constant 0 : i32
      %dma_wait3A_18 = arith.constant 0 : i32
      %dma_wait3A_19 = tpu.memref_slice %arg2[%arg0, %arg1, %dma_wait3A, %dma_wait3A_18] : memref<2x16x79x128xi32, #tpu.memory_space<hbm>> -> memref<1x1x79x128xi32, #tpu.memory_space<hbm>>
      %dma_wait3A_20 = tpu.memref_squeeze %dma_wait3A_19 : memref<1x1x79x128xi32, #tpu.memory_space<hbm>> -> memref<79x128xi32, #tpu.memory_space<hbm>>
      %dma_wait3A_21 = arith.constant 0 : i32
      %dma_wait3A_22 = arith.constant 0 : i32
      %dma_wait3A_23 = tpu.memref_slice %arg2[%arg0, %arg1, %dma_wait3A_21, %dma_wait3A_22] : memref<2x16x79x128xi32, #tpu.memory_space<hbm>> -> memref<1x1x79x128xi32, #tpu.memory_space<hbm>>
      %dma_wait3A_24 = tpu.memref_squeeze %dma_wait3A_23 : memref<1x1x79x128xi32, #tpu.memory_space<hbm>> -> memref<79x128xi32, #tpu.memory_space<hbm>>
      tpu.wait_dma2 semaphore(%run_scoped3A : memref<!tpu.dma_semaphore, #tpu.memory_space<semaphore_mem>>) src(%dma_wait3A_24 : memref<79x128xi32, #tpu.memory_space<hbm>>) dst(%arg6 : memref<79x128xi32, #tpu.memory_space<vmem>>)
      tpu.yield
    }) : () -> ()
    %barrier3A = arith.constant 0 : index
    tpu.barrier barrier_id(%barrier3A)
    %scan3A = arith.constant 0 : i32
    %scan3A_1 = arith.constant 0 : i32
    %scan3A_2 = arith.constant 79 : i32
    %scan3A_3 = arith.addi %scan3A_1, %scan3A_2 : i32
    %scan3A_4 = arith.constant 1 : i32
    scf.for %scan3A_11 = %scan3A_1 to %scan3A_3 step %scan3A_4  : i32 {
      "tpu.region"() ({
        %run_scoped3A = tpu.sem_alloc : memref<!tpu.dma_semaphore, #tpu.memory_space<semaphore_mem>>
        %dma_start3A = arith.constant 0 : i32
        %dma_start3A_12 = tpu.memref_slice %arg6[%scan3A_11, %dma_start3A] : memref<79x128xi32, #tpu.memory_space<vmem>> -> memref<1x128xi32, #tpu.memory_space<vmem>>
        %dma_start3A_13 = tpu.memref_squeeze %dma_start3A_12 : memref<1x128xi32, #tpu.memory_space<vmem>> -> memref<128xi32, #tpu.memory_space<vmem>>
        %dma_start3A_14 = arith.constant 0 : i32
        %dma_start3A_15 = arith.constant 0 : i32
        %dma_start3A_16 = tpu.memref_slice %arg8[%dma_start3A_14, %dma_start3A_15] : memref<10240x128xf32, #tpu.memory_space<vmem_shared>> -> memref<10240x128xf32, #tpu.memory_space<vmem_shared>>
        tpu.enqueue_indirect_dma source(%arg7 : memref<128x128xf32, #tpu.memory_space<vmem>>) target(%dma_start3A_16 : memref<10240x128xf32, #tpu.memory_space<vmem_shared>>) offsets(%dma_start3A_13 : memref<128xi32, #tpu.memory_space<vmem>>) semaphore(%run_scoped3A : memref<!tpu.dma_semaphore, #tpu.memory_space<semaphore_mem>>) {add = true}
        %dma_wait3A = arith.constant 0 : i32
        %dma_wait3A_17 = tpu.memref_slice %arg6[%scan3A_11, %dma_wait3A] : memref<79x128xi32, #tpu.memory_space<vmem>> -> memref<1x128xi32, #tpu.memory_space<vmem>>
        %dma_wait3A_18 = tpu.memref_squeeze %dma_wait3A_17 : memref<1x128xi32, #tpu.memory_space<vmem>> -> memref<128xi32, #tpu.memory_space<vmem>>
        %dma_wait3A_19 = arith.constant 0 : i32
        %dma_wait3A_20 = arith.constant 0 : i32
        %dma_wait3A_21 = tpu.memref_slice %arg8[%dma_wait3A_19, %dma_wait3A_20] : memref<10240x128xf32, #tpu.memory_space<vmem_shared>> -> memref<10240x128xf32, #tpu.memory_space<vmem_shared>>
        tpu.wait_indirect_dma semaphore(%run_scoped3A : memref<!tpu.dma_semaphore, #tpu.memory_space<semaphore_mem>>) src(%arg7 : memref<128x128xf32, #tpu.memory_space<vmem>>) dst(%dma_wait3A_21 : memref<10240x128xf32, #tpu.memory_space<vmem_shared>>)
        tpu.yield
      }) : () -> ()
    }
    %scan3A_5 = arith.constant 79 : i32
    %barrier3A_6 = arith.constant 0 : index
    tpu.barrier barrier_id(%barrier3A_6)
    %mul3A_7 = arith.constant 640 : i32
    %mul3A_8 = arith.muli %arg1, %mul3A_7 : i32
    %mul3A_9 = arith.constant 640 : i32
    %mul3A_10 = arith.muli %arg1, %mul3A_9 : i32
    "tpu.region"() ({
      %run_scoped3A = tpu.sem_alloc : memref<!tpu.dma_semaphore, #tpu.memory_space<semaphore_mem>>
      %dma_start3A = arith.constant 0 : i32
      %dma_start3A_11 = tpu.memref_slice %arg5[%arg0, %mul3A_10, %dma_start3A] : memref<2x10240x128xf32, #tpu.memory_space<hbm>> -> memref<1x640x128xf32, #tpu.memory_space<hbm>>
      %dma_start3A_12 = tpu.memref_squeeze %dma_start3A_11 : memref<1x640x128xf32, #tpu.memory_space<hbm>> -> memref<640x128xf32, #tpu.memory_space<hbm>>
      %dma_start3A_13 = arith.constant 0 : i32
      %dma_start3A_14 = tpu.memref_slice %arg8[%mul3A_8, %dma_start3A_13] : memref<10240x128xf32, #tpu.memory_space<vmem_shared>> -> memref<640x128xf32, #tpu.memory_space<vmem_shared>>
      tpu.enqueue_dma source(%dma_start3A_14 : memref<640x128xf32, #tpu.memory_space<vmem_shared>>) target(%dma_start3A_12 : memref<640x128xf32, #tpu.memory_space<hbm>>) target_semaphore(%run_scoped3A : memref<!tpu.dma_semaphore, #tpu.memory_space<semaphore_mem>>)
      %dma_wait3A = arith.constant 0 : i32
      %dma_wait3A_15 = tpu.memref_slice %arg5[%arg0, %mul3A_10, %dma_wait3A] : memref<2x10240x128xf32, #tpu.memory_space<hbm>> -> memref<1x640x128xf32, #tpu.memory_space<hbm>>
      %dma_wait3A_16 = tpu.memref_squeeze %dma_wait3A_15 : memref<1x640x128xf32, #tpu.memory_space<hbm>> -> memref<640x128xf32, #tpu.memory_space<hbm>>
      %dma_wait3A_17 = arith.constant 0 : i32
      %dma_wait3A_18 = tpu.memref_slice %arg8[%mul3A_8, %dma_wait3A_17] : memref<10240x128xf32, #tpu.memory_space<vmem_shared>> -> memref<640x128xf32, #tpu.memory_space<vmem_shared>>
      tpu.wait_dma2 semaphore(%run_scoped3A : memref<!tpu.dma_semaphore, #tpu.memory_space<semaphore_mem>>) src(%dma_wait3A_18 : memref<640x128xf32, #tpu.memory_space<vmem_shared>>) dst(%dma_wait3A_16 : memref<640x128xf32, #tpu.memory_space<hbm>>)
      tpu.yield
    }) : () -> ()
    return
  }
}

#map = affine_map<(d0, d1) -> (0, 0)>
#map1 = affine_map<(d0, d1) -> (0, 0, 0, 0)>
#map2 = affine_map<(d0, d1) -> (0, 0, 0)>
module attributes {stable_mosaic.version = 14 : i64} {
  func.func @scat_call(%arg0: i32, %arg1: i32, %arg2: memref<10000x128xf32, #tpu.memory_space<hbm>>, %arg3: memref<2x16x80x128xi32, #tpu.memory_space<hbm>>, %arg4: memref<2x16x80x128xi32, #tpu.memory_space<hbm>>, %arg5: memref<640x128xf32, #tpu.memory_space<hbm>>, %arg6: memref<2x10240x128xf32, #tpu.memory_space<hbm>>, %arg7: memref<40x128xi32, #tpu.memory_space<vmem>>, %arg8: memref<40x128xi32, #tpu.memory_space<vmem>>, %arg9: memref<128x128xf32, #tpu.memory_space<vmem>>, %arg10: memref<128x128xf32, #tpu.memory_space<vmem>>, %arg11: memref<10240x128xf32, #tpu.memory_space<vmem_shared>>, %arg12: memref<!tpu.dma_semaphore, #tpu.memory_space<semaphore_mem>>, %arg13: memref<!tpu.dma_semaphore, #tpu.memory_space<semaphore_mem>>) attributes {dimension_semantics = [#tpu.dimension_semantics<core_parallel>, #tpu.dimension_semantics<subcore_parallel>], iteration_bounds = array<i64: 2, 16>, scalar_prefetch = 0 : i64, scratch_operands = 7 : i64, tpu.core_type = #tpu.core_type<sc_vector_subcore>, window_params = [{transform_indices = #map}, {transform_indices = #map1}, {transform_indices = #map1}, {transform_indices = #map}, {transform_indices = #map2}]} {
    %mul3A = arith.constant 640 : i32
    %mul3A_0 = arith.muli %arg1, %mul3A : i32
    "tpu.region"() ({
      %run_scoped3A_36 = tpu.sem_alloc : memref<!tpu.dma_semaphore, #tpu.memory_space<semaphore_mem>>
      %dma_start3A_37 = arith.constant 0 : i32
      %dma_start3A_38 = tpu.memref_slice %arg11[%mul3A_0, %dma_start3A_37] : memref<10240x128xf32, #tpu.memory_space<vmem_shared>> -> memref<640x128xf32, #tpu.memory_space<vmem_shared>>
      tpu.enqueue_dma source(%arg5 : memref<640x128xf32, #tpu.memory_space<hbm>>) target(%dma_start3A_38 : memref<640x128xf32, #tpu.memory_space<vmem_shared>>) target_semaphore(%run_scoped3A_36 : memref<!tpu.dma_semaphore, #tpu.memory_space<semaphore_mem>>)
      %dma_wait3A_39 = arith.constant 0 : i32
      %dma_wait3A_40 = tpu.memref_slice %arg11[%mul3A_0, %dma_wait3A_39] : memref<10240x128xf32, #tpu.memory_space<vmem_shared>> -> memref<640x128xf32, #tpu.memory_space<vmem_shared>>
      tpu.wait_dma2 semaphore(%run_scoped3A_36 : memref<!tpu.dma_semaphore, #tpu.memory_space<semaphore_mem>>) src(%arg5 : memref<640x128xf32, #tpu.memory_space<hbm>>) dst(%dma_wait3A_40 : memref<640x128xf32, #tpu.memory_space<vmem_shared>>)
      tpu.yield
    }) : () -> ()
    %barrier3A = arith.constant 0 : index
    tpu.barrier barrier_id(%barrier3A)
    "tpu.region"() ({
      %run_scoped3A_36 = tpu.sem_alloc : memref<!tpu.dma_semaphore, #tpu.memory_space<semaphore_mem>>
      %dma_start3A_37 = arith.constant 0 : i32
      %dma_start3A_38 = arith.constant 0 : i32
      %dma_start3A_39 = tpu.memref_slice %arg3[%arg0, %arg1, %dma_start3A_37, %dma_start3A_38] : memref<2x16x80x128xi32, #tpu.memory_space<hbm>> -> memref<1x1x40x128xi32, #tpu.memory_space<hbm>>
      %dma_start3A_40 = tpu.memref_squeeze %dma_start3A_39 : memref<1x1x40x128xi32, #tpu.memory_space<hbm>> -> memref<40x128xi32, #tpu.memory_space<hbm>>
      %dma_start3A_41 = arith.constant 0 : i32
      %dma_start3A_42 = arith.constant 0 : i32
      %dma_start3A_43 = tpu.memref_slice %arg3[%arg0, %arg1, %dma_start3A_41, %dma_start3A_42] : memref<2x16x80x128xi32, #tpu.memory_space<hbm>> -> memref<1x1x40x128xi32, #tpu.memory_space<hbm>>
      %dma_start3A_44 = tpu.memref_squeeze %dma_start3A_43 : memref<1x1x40x128xi32, #tpu.memory_space<hbm>> -> memref<40x128xi32, #tpu.memory_space<hbm>>
      tpu.enqueue_dma source(%dma_start3A_44 : memref<40x128xi32, #tpu.memory_space<hbm>>) target(%arg7 : memref<40x128xi32, #tpu.memory_space<vmem>>) target_semaphore(%run_scoped3A_36 : memref<!tpu.dma_semaphore, #tpu.memory_space<semaphore_mem>>)
      %dma_wait3A_45 = arith.constant 0 : i32
      %dma_wait3A_46 = arith.constant 0 : i32
      %dma_wait3A_47 = tpu.memref_slice %arg3[%arg0, %arg1, %dma_wait3A_45, %dma_wait3A_46] : memref<2x16x80x128xi32, #tpu.memory_space<hbm>> -> memref<1x1x40x128xi32, #tpu.memory_space<hbm>>
      %dma_wait3A_48 = tpu.memref_squeeze %dma_wait3A_47 : memref<1x1x40x128xi32, #tpu.memory_space<hbm>> -> memref<40x128xi32, #tpu.memory_space<hbm>>
      %dma_wait3A_49 = arith.constant 0 : i32
      %dma_wait3A_50 = arith.constant 0 : i32
      %dma_wait3A_51 = tpu.memref_slice %arg3[%arg0, %arg1, %dma_wait3A_49, %dma_wait3A_50] : memref<2x16x80x128xi32, #tpu.memory_space<hbm>> -> memref<1x1x40x128xi32, #tpu.memory_space<hbm>>
      %dma_wait3A_52 = tpu.memref_squeeze %dma_wait3A_51 : memref<1x1x40x128xi32, #tpu.memory_space<hbm>> -> memref<40x128xi32, #tpu.memory_space<hbm>>
      tpu.wait_dma2 semaphore(%run_scoped3A_36 : memref<!tpu.dma_semaphore, #tpu.memory_space<semaphore_mem>>) src(%dma_wait3A_52 : memref<40x128xi32, #tpu.memory_space<hbm>>) dst(%arg7 : memref<40x128xi32, #tpu.memory_space<vmem>>)
      tpu.yield
    }) : () -> ()
    "tpu.region"() ({
      %run_scoped3A_36 = tpu.sem_alloc : memref<!tpu.dma_semaphore, #tpu.memory_space<semaphore_mem>>
      %dma_start3A_37 = arith.constant 0 : i32
      %dma_start3A_38 = arith.constant 0 : i32
      %dma_start3A_39 = tpu.memref_slice %arg4[%arg0, %arg1, %dma_start3A_37, %dma_start3A_38] : memref<2x16x80x128xi32, #tpu.memory_space<hbm>> -> memref<1x1x40x128xi32, #tpu.memory_space<hbm>>
      %dma_start3A_40 = tpu.memref_squeeze %dma_start3A_39 : memref<1x1x40x128xi32, #tpu.memory_space<hbm>> -> memref<40x128xi32, #tpu.memory_space<hbm>>
      %dma_start3A_41 = arith.constant 0 : i32
      %dma_start3A_42 = arith.constant 0 : i32
      %dma_start3A_43 = tpu.memref_slice %arg4[%arg0, %arg1, %dma_start3A_41, %dma_start3A_42] : memref<2x16x80x128xi32, #tpu.memory_space<hbm>> -> memref<1x1x40x128xi32, #tpu.memory_space<hbm>>
      %dma_start3A_44 = tpu.memref_squeeze %dma_start3A_43 : memref<1x1x40x128xi32, #tpu.memory_space<hbm>> -> memref<40x128xi32, #tpu.memory_space<hbm>>
      tpu.enqueue_dma source(%dma_start3A_44 : memref<40x128xi32, #tpu.memory_space<hbm>>) target(%arg8 : memref<40x128xi32, #tpu.memory_space<vmem>>) target_semaphore(%run_scoped3A_36 : memref<!tpu.dma_semaphore, #tpu.memory_space<semaphore_mem>>)
      %dma_wait3A_45 = arith.constant 0 : i32
      %dma_wait3A_46 = arith.constant 0 : i32
      %dma_wait3A_47 = tpu.memref_slice %arg4[%arg0, %arg1, %dma_wait3A_45, %dma_wait3A_46] : memref<2x16x80x128xi32, #tpu.memory_space<hbm>> -> memref<1x1x40x128xi32, #tpu.memory_space<hbm>>
      %dma_wait3A_48 = tpu.memref_squeeze %dma_wait3A_47 : memref<1x1x40x128xi32, #tpu.memory_space<hbm>> -> memref<40x128xi32, #tpu.memory_space<hbm>>
      %dma_wait3A_49 = arith.constant 0 : i32
      %dma_wait3A_50 = arith.constant 0 : i32
      %dma_wait3A_51 = tpu.memref_slice %arg4[%arg0, %arg1, %dma_wait3A_49, %dma_wait3A_50] : memref<2x16x80x128xi32, #tpu.memory_space<hbm>> -> memref<1x1x40x128xi32, #tpu.memory_space<hbm>>
      %dma_wait3A_52 = tpu.memref_squeeze %dma_wait3A_51 : memref<1x1x40x128xi32, #tpu.memory_space<hbm>> -> memref<40x128xi32, #tpu.memory_space<hbm>>
      tpu.wait_dma2 semaphore(%run_scoped3A_36 : memref<!tpu.dma_semaphore, #tpu.memory_space<semaphore_mem>>) src(%dma_wait3A_52 : memref<40x128xi32, #tpu.memory_space<hbm>>) dst(%arg8 : memref<40x128xi32, #tpu.memory_space<vmem>>)
      tpu.yield
    }) : () -> ()
    %dma_start3A = arith.constant 0 : i32
    %dma_start3A_1 = arith.constant 0 : i32
    %dma_start3A_2 = tpu.memref_slice %arg7[%dma_start3A, %dma_start3A_1] : memref<40x128xi32, #tpu.memory_space<vmem>> -> memref<1x128xi32, #tpu.memory_space<vmem>>
    %dma_start3A_3 = tpu.memref_squeeze %dma_start3A_2 : memref<1x128xi32, #tpu.memory_space<vmem>> -> memref<128xi32, #tpu.memory_space<vmem>>
    %dma_start3A_4 = arith.constant 0 : i32
    %dma_start3A_5 = arith.constant 0 : i32
    %dma_start3A_6 = tpu.memref_slice %arg2[%dma_start3A_4, %dma_start3A_5] : memref<10000x128xf32, #tpu.memory_space<hbm>> -> memref<10000x128xf32, #tpu.memory_space<hbm>>
    tpu.enqueue_indirect_dma source(%dma_start3A_6 : memref<10000x128xf32, #tpu.memory_space<hbm>>) target(%arg9 : memref<128x128xf32, #tpu.memory_space<vmem>>) offsets(%dma_start3A_3 : memref<128xi32, #tpu.memory_space<vmem>>) semaphore(%arg12 : memref<!tpu.dma_semaphore, #tpu.memory_space<semaphore_mem>>)
    %scan3A = arith.constant 0 : i32
    %scan3A_7 = arith.constant 0 : i32
    %scan3A_8 = arith.constant 20 : i32
    %scan3A_9 = arith.addi %scan3A_7, %scan3A_8 : i32
    %scan3A_10 = arith.constant 1 : i32
    scf.for %scan3A_36 = %scan3A_7 to %scan3A_9 step %scan3A_10  : i32 {
      %mul3A_37 = arith.constant 2 : i32
      %mul3A_38 = arith.muli %mul3A_37, %scan3A_36 : i32
      %mul3A_39 = arith.constant 2 : i32
      %mul3A_40 = arith.muli %mul3A_39, %scan3A_36 : i32
      %add3A = arith.constant 1 : i32
      %add3A_41 = arith.addi %mul3A_40, %add3A : i32
      %dma_wait3A_42 = arith.constant 0 : i32
      %dma_wait3A_43 = tpu.memref_slice %arg7[%mul3A_38, %dma_wait3A_42] : memref<40x128xi32, #tpu.memory_space<vmem>> -> memref<1x128xi32, #tpu.memory_space<vmem>>
      %dma_wait3A_44 = tpu.memref_squeeze %dma_wait3A_43 : memref<1x128xi32, #tpu.memory_space<vmem>> -> memref<128xi32, #tpu.memory_space<vmem>>
      %dma_wait3A_45 = arith.constant 0 : i32
      %dma_wait3A_46 = arith.constant 0 : i32
      %dma_wait3A_47 = tpu.memref_slice %arg2[%dma_wait3A_45, %dma_wait3A_46] : memref<10000x128xf32, #tpu.memory_space<hbm>> -> memref<10000x128xf32, #tpu.memory_space<hbm>>
      tpu.wait_indirect_dma semaphore(%arg12 : memref<!tpu.dma_semaphore, #tpu.memory_space<semaphore_mem>>) src(%dma_wait3A_47 : memref<10000x128xf32, #tpu.memory_space<hbm>>) dst(%arg9 : memref<128x128xf32, #tpu.memory_space<vmem>>)
      %dma_start3A_48 = arith.constant 0 : i32
      %dma_start3A_49 = tpu.memref_slice %arg7[%add3A_41, %dma_start3A_48] : memref<40x128xi32, #tpu.memory_space<vmem>> -> memref<1x128xi32, #tpu.memory_space<vmem>>
      %dma_start3A_50 = tpu.memref_squeeze %dma_start3A_49 : memref<1x128xi32, #tpu.memory_space<vmem>> -> memref<128xi32, #tpu.memory_space<vmem>>
      %dma_start3A_51 = arith.constant 0 : i32
      %dma_start3A_52 = arith.constant 0 : i32
      %dma_start3A_53 = tpu.memref_slice %arg2[%dma_start3A_51, %dma_start3A_52] : memref<10000x128xf32, #tpu.memory_space<hbm>> -> memref<10000x128xf32, #tpu.memory_space<hbm>>
      tpu.enqueue_indirect_dma source(%dma_start3A_53 : memref<10000x128xf32, #tpu.memory_space<hbm>>) target(%arg10 : memref<128x128xf32, #tpu.memory_space<vmem>>) offsets(%dma_start3A_50 : memref<128xi32, #tpu.memory_space<vmem>>) semaphore(%arg13 : memref<!tpu.dma_semaphore, #tpu.memory_space<semaphore_mem>>)
      "tpu.region"() ({
        %run_scoped3A_64 = tpu.sem_alloc : memref<!tpu.dma_semaphore, #tpu.memory_space<semaphore_mem>>
        %dma_start3A_65 = arith.constant 0 : i32
        %dma_start3A_66 = tpu.memref_slice %arg8[%mul3A_38, %dma_start3A_65] : memref<40x128xi32, #tpu.memory_space<vmem>> -> memref<1x128xi32, #tpu.memory_space<vmem>>
        %dma_start3A_67 = tpu.memref_squeeze %dma_start3A_66 : memref<1x128xi32, #tpu.memory_space<vmem>> -> memref<128xi32, #tpu.memory_space<vmem>>
        %dma_start3A_68 = arith.constant 0 : i32
        %dma_start3A_69 = arith.constant 0 : i32
        %dma_start3A_70 = tpu.memref_slice %arg11[%dma_start3A_68, %dma_start3A_69] : memref<10240x128xf32, #tpu.memory_space<vmem_shared>> -> memref<10240x128xf32, #tpu.memory_space<vmem_shared>>
        tpu.enqueue_indirect_dma source(%arg9 : memref<128x128xf32, #tpu.memory_space<vmem>>) target(%dma_start3A_70 : memref<10240x128xf32, #tpu.memory_space<vmem_shared>>) offsets(%dma_start3A_67 : memref<128xi32, #tpu.memory_space<vmem>>) semaphore(%run_scoped3A_64 : memref<!tpu.dma_semaphore, #tpu.memory_space<semaphore_mem>>) {add = true}
        %dma_wait3A_71 = arith.constant 0 : i32
        %dma_wait3A_72 = tpu.memref_slice %arg8[%mul3A_38, %dma_wait3A_71] : memref<40x128xi32, #tpu.memory_space<vmem>> -> memref<1x128xi32, #tpu.memory_space<vmem>>
        %dma_wait3A_73 = tpu.memref_squeeze %dma_wait3A_72 : memref<1x128xi32, #tpu.memory_space<vmem>> -> memref<128xi32, #tpu.memory_space<vmem>>
        %dma_wait3A_74 = arith.constant 0 : i32
        %dma_wait3A_75 = arith.constant 0 : i32
        %dma_wait3A_76 = tpu.memref_slice %arg11[%dma_wait3A_74, %dma_wait3A_75] : memref<10240x128xf32, #tpu.memory_space<vmem_shared>> -> memref<10240x128xf32, #tpu.memory_space<vmem_shared>>
        tpu.wait_indirect_dma semaphore(%run_scoped3A_64 : memref<!tpu.dma_semaphore, #tpu.memory_space<semaphore_mem>>) src(%arg9 : memref<128x128xf32, #tpu.memory_space<vmem>>) dst(%dma_wait3A_76 : memref<10240x128xf32, #tpu.memory_space<vmem_shared>>)
        tpu.yield
      }) : () -> ()
      %dma_wait3A_54 = arith.constant 0 : i32
      %dma_wait3A_55 = tpu.memref_slice %arg7[%add3A_41, %dma_wait3A_54] : memref<40x128xi32, #tpu.memory_space<vmem>> -> memref<1x128xi32, #tpu.memory_space<vmem>>
      %dma_wait3A_56 = tpu.memref_squeeze %dma_wait3A_55 : memref<1x128xi32, #tpu.memory_space<vmem>> -> memref<128xi32, #tpu.memory_space<vmem>>
      %dma_wait3A_57 = arith.constant 0 : i32
      %dma_wait3A_58 = arith.constant 0 : i32
      %dma_wait3A_59 = tpu.memref_slice %arg2[%dma_wait3A_57, %dma_wait3A_58] : memref<10000x128xf32, #tpu.memory_space<hbm>> -> memref<10000x128xf32, #tpu.memory_space<hbm>>
      tpu.wait_indirect_dma semaphore(%arg13 : memref<!tpu.dma_semaphore, #tpu.memory_space<semaphore_mem>>) src(%dma_wait3A_59 : memref<10000x128xf32, #tpu.memory_space<hbm>>) dst(%arg10 : memref<128x128xf32, #tpu.memory_space<vmem>>)
      %add3A_60 = arith.constant 1 : i32
      %add3A_61 = arith.addi %add3A_41, %add3A_60 : i32
      %lt3A = arith.constant 40 : i32
      %lt3A_62 = arith.cmpi slt, %add3A_61, %lt3A : i32
      %convert_element_type3A = arith.extui %lt3A_62 : i1 to i32
      %cond3A = arith.constant 0 : i32
      %cond3A_63 = arith.cmpi ne, %convert_element_type3A, %cond3A : i32
      scf.if %cond3A_63 {
        %add3A_64 = arith.constant 1 : i32
        %add3A_65 = arith.addi %add3A_41, %add3A_64 : i32
        %dma_start3A_66 = arith.constant 0 : i32
        %dma_start3A_67 = tpu.memref_slice %arg7[%add3A_65, %dma_start3A_66] : memref<40x128xi32, #tpu.memory_space<vmem>> -> memref<1x128xi32, #tpu.memory_space<vmem>>
        %dma_start3A_68 = tpu.memref_squeeze %dma_start3A_67 : memref<1x128xi32, #tpu.memory_space<vmem>> -> memref<128xi32, #tpu.memory_space<vmem>>
        %dma_start3A_69 = arith.constant 0 : i32
        %dma_start3A_70 = arith.constant 0 : i32
        %dma_start3A_71 = tpu.memref_slice %arg2[%dma_start3A_69, %dma_start3A_70] : memref<10000x128xf32, #tpu.memory_space<hbm>> -> memref<10000x128xf32, #tpu.memory_space<hbm>>
        tpu.enqueue_indirect_dma source(%dma_start3A_71 : memref<10000x128xf32, #tpu.memory_space<hbm>>) target(%arg9 : memref<128x128xf32, #tpu.memory_space<vmem>>) offsets(%dma_start3A_68 : memref<128xi32, #tpu.memory_space<vmem>>) semaphore(%arg12 : memref<!tpu.dma_semaphore, #tpu.memory_space<semaphore_mem>>)
      } else {
      }
      "tpu.region"() ({
        %run_scoped3A_64 = tpu.sem_alloc : memref<!tpu.dma_semaphore, #tpu.memory_space<semaphore_mem>>
        %dma_start3A_65 = arith.constant 0 : i32
        %dma_start3A_66 = tpu.memref_slice %arg8[%add3A_41, %dma_start3A_65] : memref<40x128xi32, #tpu.memory_space<vmem>> -> memref<1x128xi32, #tpu.memory_space<vmem>>
        %dma_start3A_67 = tpu.memref_squeeze %dma_start3A_66 : memref<1x128xi32, #tpu.memory_space<vmem>> -> memref<128xi32, #tpu.memory_space<vmem>>
        %dma_start3A_68 = arith.constant 0 : i32
        %dma_start3A_69 = arith.constant 0 : i32
        %dma_start3A_70 = tpu.memref_slice %arg11[%dma_start3A_68, %dma_start3A_69] : memref<10240x128xf32, #tpu.memory_space<vmem_shared>> -> memref<10240x128xf32, #tpu.memory_space<vmem_shared>>
        tpu.enqueue_indirect_dma source(%arg10 : memref<128x128xf32, #tpu.memory_space<vmem>>) target(%dma_start3A_70 : memref<10240x128xf32, #tpu.memory_space<vmem_shared>>) offsets(%dma_start3A_67 : memref<128xi32, #tpu.memory_space<vmem>>) semaphore(%run_scoped3A_64 : memref<!tpu.dma_semaphore, #tpu.memory_space<semaphore_mem>>) {add = true}
        %dma_wait3A_71 = arith.constant 0 : i32
        %dma_wait3A_72 = tpu.memref_slice %arg8[%add3A_41, %dma_wait3A_71] : memref<40x128xi32, #tpu.memory_space<vmem>> -> memref<1x128xi32, #tpu.memory_space<vmem>>
        %dma_wait3A_73 = tpu.memref_squeeze %dma_wait3A_72 : memref<1x128xi32, #tpu.memory_space<vmem>> -> memref<128xi32, #tpu.memory_space<vmem>>
        %dma_wait3A_74 = arith.constant 0 : i32
        %dma_wait3A_75 = arith.constant 0 : i32
        %dma_wait3A_76 = tpu.memref_slice %arg11[%dma_wait3A_74, %dma_wait3A_75] : memref<10240x128xf32, #tpu.memory_space<vmem_shared>> -> memref<10240x128xf32, #tpu.memory_space<vmem_shared>>
        tpu.wait_indirect_dma semaphore(%run_scoped3A_64 : memref<!tpu.dma_semaphore, #tpu.memory_space<semaphore_mem>>) src(%arg10 : memref<128x128xf32, #tpu.memory_space<vmem>>) dst(%dma_wait3A_76 : memref<10240x128xf32, #tpu.memory_space<vmem_shared>>)
        tpu.yield
      }) : () -> ()
    }
    %scan3A_11 = arith.constant 20 : i32
    "tpu.region"() ({
      %run_scoped3A_36 = tpu.sem_alloc : memref<!tpu.dma_semaphore, #tpu.memory_space<semaphore_mem>>
      %dma_start3A_37 = arith.constant 40 : i32
      %dma_start3A_38 = arith.constant 0 : i32
      %dma_start3A_39 = tpu.memref_slice %arg3[%arg0, %arg1, %dma_start3A_37, %dma_start3A_38] : memref<2x16x80x128xi32, #tpu.memory_space<hbm>> -> memref<1x1x40x128xi32, #tpu.memory_space<hbm>>
      %dma_start3A_40 = tpu.memref_squeeze %dma_start3A_39 : memref<1x1x40x128xi32, #tpu.memory_space<hbm>> -> memref<40x128xi32, #tpu.memory_space<hbm>>
      %dma_start3A_41 = arith.constant 40 : i32
      %dma_start3A_42 = arith.constant 0 : i32
      %dma_start3A_43 = tpu.memref_slice %arg3[%arg0, %arg1, %dma_start3A_41, %dma_start3A_42] : memref<2x16x80x128xi32, #tpu.memory_space<hbm>> -> memref<1x1x40x128xi32, #tpu.memory_space<hbm>>
      %dma_start3A_44 = tpu.memref_squeeze %dma_start3A_43 : memref<1x1x40x128xi32, #tpu.memory_space<hbm>> -> memref<40x128xi32, #tpu.memory_space<hbm>>
      tpu.enqueue_dma source(%dma_start3A_44 : memref<40x128xi32, #tpu.memory_space<hbm>>) target(%arg7 : memref<40x128xi32, #tpu.memory_space<vmem>>) target_semaphore(%run_scoped3A_36 : memref<!tpu.dma_semaphore, #tpu.memory_space<semaphore_mem>>)
      %dma_wait3A_45 = arith.constant 40 : i32
      %dma_wait3A_46 = arith.constant 0 : i32
      %dma_wait3A_47 = tpu.memref_slice %arg3[%arg0, %arg1, %dma_wait3A_45, %dma_wait3A_46] : memref<2x16x80x128xi32, #tpu.memory_space<hbm>> -> memref<1x1x40x128xi32, #tpu.memory_space<hbm>>
      %dma_wait3A_48 = tpu.memref_squeeze %dma_wait3A_47 : memref<1x1x40x128xi32, #tpu.memory_space<hbm>> -> memref<40x128xi32, #tpu.memory_space<hbm>>
      %dma_wait3A_49 = arith.constant 40 : i32
      %dma_wait3A_50 = arith.constant 0 : i32
      %dma_wait3A_51 = tpu.memref_slice %arg3[%arg0, %arg1, %dma_wait3A_49, %dma_wait3A_50] : memref<2x16x80x128xi32, #tpu.memory_space<hbm>> -> memref<1x1x40x128xi32, #tpu.memory_space<hbm>>
      %dma_wait3A_52 = tpu.memref_squeeze %dma_wait3A_51 : memref<1x1x40x128xi32, #tpu.memory_space<hbm>> -> memref<40x128xi32, #tpu.memory_space<hbm>>
      tpu.wait_dma2 semaphore(%run_scoped3A_36 : memref<!tpu.dma_semaphore, #tpu.memory_space<semaphore_mem>>) src(%dma_wait3A_52 : memref<40x128xi32, #tpu.memory_space<hbm>>) dst(%arg7 : memref<40x128xi32, #tpu.memory_space<vmem>>)
      tpu.yield
    }) : () -> ()
    "tpu.region"() ({
      %run_scoped3A_36 = tpu.sem_alloc : memref<!tpu.dma_semaphore, #tpu.memory_space<semaphore_mem>>
      %dma_start3A_37 = arith.constant 40 : i32
      %dma_start3A_38 = arith.constant 0 : i32
      %dma_start3A_39 = tpu.memref_slice %arg4[%arg0, %arg1, %dma_start3A_37, %dma_start3A_38] : memref<2x16x80x128xi32, #tpu.memory_space<hbm>> -> memref<1x1x40x128xi32, #tpu.memory_space<hbm>>
      %dma_start3A_40 = tpu.memref_squeeze %dma_start3A_39 : memref<1x1x40x128xi32, #tpu.memory_space<hbm>> -> memref<40x128xi32, #tpu.memory_space<hbm>>
      %dma_start3A_41 = arith.constant 40 : i32
      %dma_start3A_42 = arith.constant 0 : i32
      %dma_start3A_43 = tpu.memref_slice %arg4[%arg0, %arg1, %dma_start3A_41, %dma_start3A_42] : memref<2x16x80x128xi32, #tpu.memory_space<hbm>> -> memref<1x1x40x128xi32, #tpu.memory_space<hbm>>
      %dma_start3A_44 = tpu.memref_squeeze %dma_start3A_43 : memref<1x1x40x128xi32, #tpu.memory_space<hbm>> -> memref<40x128xi32, #tpu.memory_space<hbm>>
      tpu.enqueue_dma source(%dma_start3A_44 : memref<40x128xi32, #tpu.memory_space<hbm>>) target(%arg8 : memref<40x128xi32, #tpu.memory_space<vmem>>) target_semaphore(%run_scoped3A_36 : memref<!tpu.dma_semaphore, #tpu.memory_space<semaphore_mem>>)
      %dma_wait3A_45 = arith.constant 40 : i32
      %dma_wait3A_46 = arith.constant 0 : i32
      %dma_wait3A_47 = tpu.memref_slice %arg4[%arg0, %arg1, %dma_wait3A_45, %dma_wait3A_46] : memref<2x16x80x128xi32, #tpu.memory_space<hbm>> -> memref<1x1x40x128xi32, #tpu.memory_space<hbm>>
      %dma_wait3A_48 = tpu.memref_squeeze %dma_wait3A_47 : memref<1x1x40x128xi32, #tpu.memory_space<hbm>> -> memref<40x128xi32, #tpu.memory_space<hbm>>
      %dma_wait3A_49 = arith.constant 40 : i32
      %dma_wait3A_50 = arith.constant 0 : i32
      %dma_wait3A_51 = tpu.memref_slice %arg4[%arg0, %arg1, %dma_wait3A_49, %dma_wait3A_50] : memref<2x16x80x128xi32, #tpu.memory_space<hbm>> -> memref<1x1x40x128xi32, #tpu.memory_space<hbm>>
      %dma_wait3A_52 = tpu.memref_squeeze %dma_wait3A_51 : memref<1x1x40x128xi32, #tpu.memory_space<hbm>> -> memref<40x128xi32, #tpu.memory_space<hbm>>
      tpu.wait_dma2 semaphore(%run_scoped3A_36 : memref<!tpu.dma_semaphore, #tpu.memory_space<semaphore_mem>>) src(%dma_wait3A_52 : memref<40x128xi32, #tpu.memory_space<hbm>>) dst(%arg8 : memref<40x128xi32, #tpu.memory_space<vmem>>)
      tpu.yield
    }) : () -> ()
    %dma_start3A_12 = arith.constant 0 : i32
    %dma_start3A_13 = arith.constant 0 : i32
    %dma_start3A_14 = tpu.memref_slice %arg7[%dma_start3A_12, %dma_start3A_13] : memref<40x128xi32, #tpu.memory_space<vmem>> -> memref<1x128xi32, #tpu.memory_space<vmem>>
    %dma_start3A_15 = tpu.memref_squeeze %dma_start3A_14 : memref<1x128xi32, #tpu.memory_space<vmem>> -> memref<128xi32, #tpu.memory_space<vmem>>
    %dma_start3A_16 = arith.constant 0 : i32
    %dma_start3A_17 = arith.constant 0 : i32
    %dma_start3A_18 = tpu.memref_slice %arg2[%dma_start3A_16, %dma_start3A_17] : memref<10000x128xf32, #tpu.memory_space<hbm>> -> memref<10000x128xf32, #tpu.memory_space<hbm>>
    tpu.enqueue_indirect_dma source(%dma_start3A_18 : memref<10000x128xf32, #tpu.memory_space<hbm>>) target(%arg9 : memref<128x128xf32, #tpu.memory_space<vmem>>) offsets(%dma_start3A_15 : memref<128xi32, #tpu.memory_space<vmem>>) semaphore(%arg12 : memref<!tpu.dma_semaphore, #tpu.memory_space<semaphore_mem>>)
    %scan3A_19 = arith.constant 0 : i32
    %scan3A_20 = arith.constant 0 : i32
    %scan3A_21 = arith.constant 19 : i32
    %scan3A_22 = arith.addi %scan3A_20, %scan3A_21 : i32
    %scan3A_23 = arith.constant 1 : i32
    scf.for %scan3A_36 = %scan3A_20 to %scan3A_22 step %scan3A_23  : i32 {
      %mul3A_37 = arith.constant 2 : i32
      %mul3A_38 = arith.muli %mul3A_37, %scan3A_36 : i32
      %mul3A_39 = arith.constant 2 : i32
      %mul3A_40 = arith.muli %mul3A_39, %scan3A_36 : i32
      %add3A = arith.constant 1 : i32
      %add3A_41 = arith.addi %mul3A_40, %add3A : i32
      %dma_wait3A_42 = arith.constant 0 : i32
      %dma_wait3A_43 = tpu.memref_slice %arg7[%mul3A_38, %dma_wait3A_42] : memref<40x128xi32, #tpu.memory_space<vmem>> -> memref<1x128xi32, #tpu.memory_space<vmem>>
      %dma_wait3A_44 = tpu.memref_squeeze %dma_wait3A_43 : memref<1x128xi32, #tpu.memory_space<vmem>> -> memref<128xi32, #tpu.memory_space<vmem>>
      %dma_wait3A_45 = arith.constant 0 : i32
      %dma_wait3A_46 = arith.constant 0 : i32
      %dma_wait3A_47 = tpu.memref_slice %arg2[%dma_wait3A_45, %dma_wait3A_46] : memref<10000x128xf32, #tpu.memory_space<hbm>> -> memref<10000x128xf32, #tpu.memory_space<hbm>>
      tpu.wait_indirect_dma semaphore(%arg12 : memref<!tpu.dma_semaphore, #tpu.memory_space<semaphore_mem>>) src(%dma_wait3A_47 : memref<10000x128xf32, #tpu.memory_space<hbm>>) dst(%arg9 : memref<128x128xf32, #tpu.memory_space<vmem>>)
      %dma_start3A_48 = arith.constant 0 : i32
      %dma_start3A_49 = tpu.memref_slice %arg7[%add3A_41, %dma_start3A_48] : memref<40x128xi32, #tpu.memory_space<vmem>> -> memref<1x128xi32, #tpu.memory_space<vmem>>
      %dma_start3A_50 = tpu.memref_squeeze %dma_start3A_49 : memref<1x128xi32, #tpu.memory_space<vmem>> -> memref<128xi32, #tpu.memory_space<vmem>>
      %dma_start3A_51 = arith.constant 0 : i32
      %dma_start3A_52 = arith.constant 0 : i32
      %dma_start3A_53 = tpu.memref_slice %arg2[%dma_start3A_51, %dma_start3A_52] : memref<10000x128xf32, #tpu.memory_space<hbm>> -> memref<10000x128xf32, #tpu.memory_space<hbm>>
      tpu.enqueue_indirect_dma source(%dma_start3A_53 : memref<10000x128xf32, #tpu.memory_space<hbm>>) target(%arg10 : memref<128x128xf32, #tpu.memory_space<vmem>>) offsets(%dma_start3A_50 : memref<128xi32, #tpu.memory_space<vmem>>) semaphore(%arg13 : memref<!tpu.dma_semaphore, #tpu.memory_space<semaphore_mem>>)
      "tpu.region"() ({
        %run_scoped3A_64 = tpu.sem_alloc : memref<!tpu.dma_semaphore, #tpu.memory_space<semaphore_mem>>
        %dma_start3A_65 = arith.constant 0 : i32
        %dma_start3A_66 = tpu.memref_slice %arg8[%mul3A_38, %dma_start3A_65] : memref<40x128xi32, #tpu.memory_space<vmem>> -> memref<1x128xi32, #tpu.memory_space<vmem>>
        %dma_start3A_67 = tpu.memref_squeeze %dma_start3A_66 : memref<1x128xi32, #tpu.memory_space<vmem>> -> memref<128xi32, #tpu.memory_space<vmem>>
        %dma_start3A_68 = arith.constant 0 : i32
        %dma_start3A_69 = arith.constant 0 : i32
        %dma_start3A_70 = tpu.memref_slice %arg11[%dma_start3A_68, %dma_start3A_69] : memref<10240x128xf32, #tpu.memory_space<vmem_shared>> -> memref<10240x128xf32, #tpu.memory_space<vmem_shared>>
        tpu.enqueue_indirect_dma source(%arg9 : memref<128x128xf32, #tpu.memory_space<vmem>>) target(%dma_start3A_70 : memref<10240x128xf32, #tpu.memory_space<vmem_shared>>) offsets(%dma_start3A_67 : memref<128xi32, #tpu.memory_space<vmem>>) semaphore(%run_scoped3A_64 : memref<!tpu.dma_semaphore, #tpu.memory_space<semaphore_mem>>) {add = true}
        %dma_wait3A_71 = arith.constant 0 : i32
        %dma_wait3A_72 = tpu.memref_slice %arg8[%mul3A_38, %dma_wait3A_71] : memref<40x128xi32, #tpu.memory_space<vmem>> -> memref<1x128xi32, #tpu.memory_space<vmem>>
        %dma_wait3A_73 = tpu.memref_squeeze %dma_wait3A_72 : memref<1x128xi32, #tpu.memory_space<vmem>> -> memref<128xi32, #tpu.memory_space<vmem>>
        %dma_wait3A_74 = arith.constant 0 : i32
        %dma_wait3A_75 = arith.constant 0 : i32
        %dma_wait3A_76 = tpu.memref_slice %arg11[%dma_wait3A_74, %dma_wait3A_75] : memref<10240x128xf32, #tpu.memory_space<vmem_shared>> -> memref<10240x128xf32, #tpu.memory_space<vmem_shared>>
        tpu.wait_indirect_dma semaphore(%run_scoped3A_64 : memref<!tpu.dma_semaphore, #tpu.memory_space<semaphore_mem>>) src(%arg9 : memref<128x128xf32, #tpu.memory_space<vmem>>) dst(%dma_wait3A_76 : memref<10240x128xf32, #tpu.memory_space<vmem_shared>>)
        tpu.yield
      }) : () -> ()
      %dma_wait3A_54 = arith.constant 0 : i32
      %dma_wait3A_55 = tpu.memref_slice %arg7[%add3A_41, %dma_wait3A_54] : memref<40x128xi32, #tpu.memory_space<vmem>> -> memref<1x128xi32, #tpu.memory_space<vmem>>
      %dma_wait3A_56 = tpu.memref_squeeze %dma_wait3A_55 : memref<1x128xi32, #tpu.memory_space<vmem>> -> memref<128xi32, #tpu.memory_space<vmem>>
      %dma_wait3A_57 = arith.constant 0 : i32
      %dma_wait3A_58 = arith.constant 0 : i32
      %dma_wait3A_59 = tpu.memref_slice %arg2[%dma_wait3A_57, %dma_wait3A_58] : memref<10000x128xf32, #tpu.memory_space<hbm>> -> memref<10000x128xf32, #tpu.memory_space<hbm>>
      tpu.wait_indirect_dma semaphore(%arg13 : memref<!tpu.dma_semaphore, #tpu.memory_space<semaphore_mem>>) src(%dma_wait3A_59 : memref<10000x128xf32, #tpu.memory_space<hbm>>) dst(%arg10 : memref<128x128xf32, #tpu.memory_space<vmem>>)
      %add3A_60 = arith.constant 1 : i32
      %add3A_61 = arith.addi %add3A_41, %add3A_60 : i32
      %lt3A = arith.constant 39 : i32
      %lt3A_62 = arith.cmpi slt, %add3A_61, %lt3A : i32
      %convert_element_type3A = arith.extui %lt3A_62 : i1 to i32
      %cond3A = arith.constant 0 : i32
      %cond3A_63 = arith.cmpi ne, %convert_element_type3A, %cond3A : i32
      scf.if %cond3A_63 {
        %add3A_64 = arith.constant 1 : i32
        %add3A_65 = arith.addi %add3A_41, %add3A_64 : i32
        %dma_start3A_66 = arith.constant 0 : i32
        %dma_start3A_67 = tpu.memref_slice %arg7[%add3A_65, %dma_start3A_66] : memref<40x128xi32, #tpu.memory_space<vmem>> -> memref<1x128xi32, #tpu.memory_space<vmem>>
        %dma_start3A_68 = tpu.memref_squeeze %dma_start3A_67 : memref<1x128xi32, #tpu.memory_space<vmem>> -> memref<128xi32, #tpu.memory_space<vmem>>
        %dma_start3A_69 = arith.constant 0 : i32
        %dma_start3A_70 = arith.constant 0 : i32
        %dma_start3A_71 = tpu.memref_slice %arg2[%dma_start3A_69, %dma_start3A_70] : memref<10000x128xf32, #tpu.memory_space<hbm>> -> memref<10000x128xf32, #tpu.memory_space<hbm>>
        tpu.enqueue_indirect_dma source(%dma_start3A_71 : memref<10000x128xf32, #tpu.memory_space<hbm>>) target(%arg9 : memref<128x128xf32, #tpu.memory_space<vmem>>) offsets(%dma_start3A_68 : memref<128xi32, #tpu.memory_space<vmem>>) semaphore(%arg12 : memref<!tpu.dma_semaphore, #tpu.memory_space<semaphore_mem>>)
      } else {
      }
      "tpu.region"() ({
        %run_scoped3A_64 = tpu.sem_alloc : memref<!tpu.dma_semaphore, #tpu.memory_space<semaphore_mem>>
        %dma_start3A_65 = arith.constant 0 : i32
        %dma_start3A_66 = tpu.memref_slice %arg8[%add3A_41, %dma_start3A_65] : memref<40x128xi32, #tpu.memory_space<vmem>> -> memref<1x128xi32, #tpu.memory_space<vmem>>
        %dma_start3A_67 = tpu.memref_squeeze %dma_start3A_66 : memref<1x128xi32, #tpu.memory_space<vmem>> -> memref<128xi32, #tpu.memory_space<vmem>>
        %dma_start3A_68 = arith.constant 0 : i32
        %dma_start3A_69 = arith.constant 0 : i32
        %dma_start3A_70 = tpu.memref_slice %arg11[%dma_start3A_68, %dma_start3A_69] : memref<10240x128xf32, #tpu.memory_space<vmem_shared>> -> memref<10240x128xf32, #tpu.memory_space<vmem_shared>>
        tpu.enqueue_indirect_dma source(%arg10 : memref<128x128xf32, #tpu.memory_space<vmem>>) target(%dma_start3A_70 : memref<10240x128xf32, #tpu.memory_space<vmem_shared>>) offsets(%dma_start3A_67 : memref<128xi32, #tpu.memory_space<vmem>>) semaphore(%run_scoped3A_64 : memref<!tpu.dma_semaphore, #tpu.memory_space<semaphore_mem>>) {add = true}
        %dma_wait3A_71 = arith.constant 0 : i32
        %dma_wait3A_72 = tpu.memref_slice %arg8[%add3A_41, %dma_wait3A_71] : memref<40x128xi32, #tpu.memory_space<vmem>> -> memref<1x128xi32, #tpu.memory_space<vmem>>
        %dma_wait3A_73 = tpu.memref_squeeze %dma_wait3A_72 : memref<1x128xi32, #tpu.memory_space<vmem>> -> memref<128xi32, #tpu.memory_space<vmem>>
        %dma_wait3A_74 = arith.constant 0 : i32
        %dma_wait3A_75 = arith.constant 0 : i32
        %dma_wait3A_76 = tpu.memref_slice %arg11[%dma_wait3A_74, %dma_wait3A_75] : memref<10240x128xf32, #tpu.memory_space<vmem_shared>> -> memref<10240x128xf32, #tpu.memory_space<vmem_shared>>
        tpu.wait_indirect_dma semaphore(%run_scoped3A_64 : memref<!tpu.dma_semaphore, #tpu.memory_space<semaphore_mem>>) src(%arg10 : memref<128x128xf32, #tpu.memory_space<vmem>>) dst(%dma_wait3A_76 : memref<10240x128xf32, #tpu.memory_space<vmem_shared>>)
        tpu.yield
      }) : () -> ()
    }
    %scan3A_24 = arith.constant 19 : i32
    %dma_wait3A = arith.constant 38 : i32
    %dma_wait3A_25 = arith.constant 0 : i32
    %dma_wait3A_26 = tpu.memref_slice %arg7[%dma_wait3A, %dma_wait3A_25] : memref<40x128xi32, #tpu.memory_space<vmem>> -> memref<1x128xi32, #tpu.memory_space<vmem>>
    %dma_wait3A_27 = tpu.memref_squeeze %dma_wait3A_26 : memref<1x128xi32, #tpu.memory_space<vmem>> -> memref<128xi32, #tpu.memory_space<vmem>>
    %dma_wait3A_28 = arith.constant 0 : i32
    %dma_wait3A_29 = arith.constant 0 : i32
    %dma_wait3A_30 = tpu.memref_slice %arg2[%dma_wait3A_28, %dma_wait3A_29] : memref<10000x128xf32, #tpu.memory_space<hbm>> -> memref<10000x128xf32, #tpu.memory_space<hbm>>
    tpu.wait_indirect_dma semaphore(%arg12 : memref<!tpu.dma_semaphore, #tpu.memory_space<semaphore_mem>>) src(%dma_wait3A_30 : memref<10000x128xf32, #tpu.memory_space<hbm>>) dst(%arg9 : memref<128x128xf32, #tpu.memory_space<vmem>>)
    %run_scoped3A = arith.constant 38 : i32
    "tpu.region"() ({
      %run_scoped3A_36 = tpu.sem_alloc : memref<!tpu.dma_semaphore, #tpu.memory_space<semaphore_mem>>
      %dma_start3A_37 = arith.constant 0 : i32
      %dma_start3A_38 = tpu.memref_slice %arg8[%run_scoped3A, %dma_start3A_37] : memref<40x128xi32, #tpu.memory_space<vmem>> -> memref<1x128xi32, #tpu.memory_space<vmem>>
      %dma_start3A_39 = tpu.memref_squeeze %dma_start3A_38 : memref<1x128xi32, #tpu.memory_space<vmem>> -> memref<128xi32, #tpu.memory_space<vmem>>
      %dma_start3A_40 = arith.constant 0 : i32
      %dma_start3A_41 = arith.constant 0 : i32
      %dma_start3A_42 = tpu.memref_slice %arg11[%dma_start3A_40, %dma_start3A_41] : memref<10240x128xf32, #tpu.memory_space<vmem_shared>> -> memref<10240x128xf32, #tpu.memory_space<vmem_shared>>
      tpu.enqueue_indirect_dma source(%arg9 : memref<128x128xf32, #tpu.memory_space<vmem>>) target(%dma_start3A_42 : memref<10240x128xf32, #tpu.memory_space<vmem_shared>>) offsets(%dma_start3A_39 : memref<128xi32, #tpu.memory_space<vmem>>) semaphore(%run_scoped3A_36 : memref<!tpu.dma_semaphore, #tpu.memory_space<semaphore_mem>>) {add = true}
      %dma_wait3A_43 = arith.constant 0 : i32
      %dma_wait3A_44 = tpu.memref_slice %arg8[%run_scoped3A, %dma_wait3A_43] : memref<40x128xi32, #tpu.memory_space<vmem>> -> memref<1x128xi32, #tpu.memory_space<vmem>>
      %dma_wait3A_45 = tpu.memref_squeeze %dma_wait3A_44 : memref<1x128xi32, #tpu.memory_space<vmem>> -> memref<128xi32, #tpu.memory_space<vmem>>
      %dma_wait3A_46 = arith.constant 0 : i32
      %dma_wait3A_47 = arith.constant 0 : i32
      %dma_wait3A_48 = tpu.memref_slice %arg11[%dma_wait3A_46, %dma_wait3A_47] : memref<10240x128xf32, #tpu.memory_space<vmem_shared>> -> memref<10240x128xf32, #tpu.memory_space<vmem_shared>>
      tpu.wait_indirect_dma semaphore(%run_scoped3A_36 : memref<!tpu.dma_semaphore, #tpu.memory_space<semaphore_mem>>) src(%arg9 : memref<128x128xf32, #tpu.memory_space<vmem>>) dst(%dma_wait3A_48 : memref<10240x128xf32, #tpu.memory_space<vmem_shared>>)
      tpu.yield
    }) : () -> ()
    %barrier3A_31 = arith.constant 0 : index
    tpu.barrier barrier_id(%barrier3A_31)
    %mul3A_32 = arith.constant 640 : i32
    %mul3A_33 = arith.muli %arg1, %mul3A_32 : i32
    %mul3A_34 = arith.constant 640 : i32
    %mul3A_35 = arith.muli %arg1, %mul3A_34 : i32
    "tpu.region"() ({
      %run_scoped3A_36 = tpu.sem_alloc : memref<!tpu.dma_semaphore, #tpu.memory_space<semaphore_mem>>
      %dma_start3A_37 = arith.constant 0 : i32
      %dma_start3A_38 = tpu.memref_slice %arg6[%arg0, %mul3A_35, %dma_start3A_37] : memref<2x10240x128xf32, #tpu.memory_space<hbm>> -> memref<1x640x128xf32, #tpu.memory_space<hbm>>
      %dma_start3A_39 = tpu.memref_squeeze %dma_start3A_38 : memref<1x640x128xf32, #tpu.memory_space<hbm>> -> memref<640x128xf32, #tpu.memory_space<hbm>>
      %dma_start3A_40 = arith.constant 0 : i32
      %dma_start3A_41 = tpu.memref_slice %arg11[%mul3A_33, %dma_start3A_40] : memref<10240x128xf32, #tpu.memory_space<vmem_shared>> -> memref<640x128xf32, #tpu.memory_space<vmem_shared>>
      tpu.enqueue_dma source(%dma_start3A_41 : memref<640x128xf32, #tpu.memory_space<vmem_shared>>) target(%dma_start3A_39 : memref<640x128xf32, #tpu.memory_space<hbm>>) target_semaphore(%run_scoped3A_36 : memref<!tpu.dma_semaphore, #tpu.memory_space<semaphore_mem>>)
      %dma_wait3A_42 = arith.constant 0 : i32
      %dma_wait3A_43 = tpu.memref_slice %arg6[%arg0, %mul3A_35, %dma_wait3A_42] : memref<2x10240x128xf32, #tpu.memory_space<hbm>> -> memref<1x640x128xf32, #tpu.memory_space<hbm>>
      %dma_wait3A_44 = tpu.memref_squeeze %dma_wait3A_43 : memref<1x640x128xf32, #tpu.memory_space<hbm>> -> memref<640x128xf32, #tpu.memory_space<hbm>>
      %dma_wait3A_45 = arith.constant 0 : i32
      %dma_wait3A_46 = tpu.memref_slice %arg11[%mul3A_33, %dma_wait3A_45] : memref<10240x128xf32, #tpu.memory_space<vmem_shared>> -> memref<640x128xf32, #tpu.memory_space<vmem_shared>>
      tpu.wait_dma2 semaphore(%run_scoped3A_36 : memref<!tpu.dma_semaphore, #tpu.memory_space<semaphore_mem>>) src(%dma_wait3A_46 : memref<640x128xf32, #tpu.memory_space<vmem_shared>>) dst(%dma_wait3A_44 : memref<640x128xf32, #tpu.memory_space<hbm>>)
      tpu.yield
    }) : () -> ()
    return
  }
}

module attributes {stable_mosaic.version = 14 : i64} {
  func.func @k1_body(%arg0: i32, %arg1: memref<2000x128xf32, #tpu.memory_space<vmem>>, %arg2: memref<128x128xf32, #tpu.memory_space<vmem>>, %arg3: memref<2x2000x128xf32, #tpu.memory_space<vmem>>, %arg4: memref<2000x128xf32, #tpu.memory_space<vmem>>) attributes {dimension_semantics = [#tpu.dimension_semantics<arbitrary>], iteration_bounds = array<i64: 5>, scalar_prefetch = 0 : i64, scratch_operands = 0 : i64, tpu.core_type = #tpu.core_type<tc>, window_params = [{transform_indices = @transform_0, window_bounds = array<i64: 2000, 128>}, {pipeline_mode = #tpu.pipeline_mode<synchronous>, transform_indices = @transform_1, window_bounds = array<i64: 128, 128>}, {transform_indices = @transform_2, window_bounds = array<i64: 2, 2000, 128>}, {transform_indices = @transform_3, window_bounds = array<i64: 2000, 128>}]} {
    %get3A = arith.constant 0 : index
    %get3A_0 = arith.constant 0 : index
    %get3A_1 = vector.load %arg1[%get3A, %get3A_0] : memref<2000x128xf32, #tpu.memory_space<vmem>>, vector<2000x128xf32>
    %get3A_2 = arith.constant 0 : index
    %get3A_3 = arith.constant 0 : index
    %get3A_4 = vector.load %arg2[%get3A_2, %get3A_3] : memref<128x128xf32, #tpu.memory_space<vmem>>, vector<128x128xf32>
    %dot_general3A = arith.constant dense<0.000000e+00> : vector<2000x128xf32>
    %dot_general3A_5 = tpu.matmul %get3A_1, %get3A_4, %dot_general3A {dimension_numbers = #tpu.dot_dimension_numbers<[1], [0], [0], [1], [0, 0, 1, 1], [], []>, transpose_lhs_hint = false} : vector<2000x128xf32>, vector<128x128xf32>, vector<2000x128xf32> -> vector<2000x128xf32>
    %get3A_6 = arith.constant 0 : index
    %get3A_7 = arith.constant 0 : index
    %get3A_8 = arith.constant 0 : index
    %get3A_9 = vector.load %arg3[%get3A_6, %get3A_7, %get3A_8] : memref<2x2000x128xf32, #tpu.memory_space<vmem>>, vector<1x2000x1xf32>
    %get3A_10 = vector.shape_cast %get3A_9 : vector<1x2000x1xf32> to vector<2000x1xf32>
    %get3A_11 = arith.constant 1 : index
    %get3A_12 = arith.constant 0 : index
    %get3A_13 = arith.constant 0 : index
    %get3A_14 = vector.load %arg3[%get3A_11, %get3A_12, %get3A_13] : memref<2x2000x128xf32, #tpu.memory_space<vmem>>, vector<1x2000x1xf32>
    %get3A_15 = vector.shape_cast %get3A_14 : vector<1x2000x1xf32> to vector<2000x1xf32>
    %add3A = arith.addf %get3A_10, %get3A_15 : vector<2000x1xf32>
    %add3A_16 = arith.constant 1.000000e+00 : f32
    %add3A_17 = vector.broadcast %add3A_16 : f32 to vector<2000x1xf32>
    %add3A_18 = arith.addf %add3A, %add3A_17 : vector<2000x1xf32>
    %rsqrt3A = math.rsqrt %add3A_18 : vector<2000x1xf32>
    %mul3A = vector.broadcast %rsqrt3A : vector<2000x1xf32> to vector<2000x128xf32>
    %mul3A_19 = arith.mulf %dot_general3A_5, %mul3A : vector<2000x128xf32>
    %swap3A = arith.constant 0 : index
    %swap3A_20 = arith.constant 0 : index
    %swap3A_21 = vector.load %arg4[%swap3A, %swap3A_20] : memref<2000x128xf32, #tpu.memory_space<vmem>>, vector<2000x128xf32>
    tpu.vector_store %arg4[%swap3A, %swap3A_20], %mul3A_19 {strides = array<i32>} : memref<2000x128xf32, #tpu.memory_space<vmem>>, vector<2000x128xf32>,
    return
  }
  func.func @transform_0(%arg0: i32) -> (i32, i32) {
    %c0_i32 = arith.constant 0 : i32
    %c0_i32_0 = arith.constant 0 : i32
    return %arg0, %c0_i32 : i32, i32
  }
  func.func @transform_1(%arg0: i32) -> (i32, i32) {
    %c0_i32 = arith.constant 0 : i32
    %c0_i32_0 = arith.constant 0 : i32
    %c0_i32_1 = arith.constant 0 : i32
    return %c0_i32, %c0_i32_0 : i32, i32
  }
  func.func @transform_2(%arg0: i32) -> (i32, i32, i32) {
    %c0_i32 = arith.constant 0 : i32
    %c0_i32_0 = arith.constant 0 : i32
    %c0_i32_1 = arith.constant 0 : i32
    return %c0_i32, %arg0, %c0_i32_0 : i32, i32, i32
  }
  func.func @transform_3(%arg0: i32) -> (i32, i32) {
    %c0_i32 = arith.constant 0 : i32
    %c0_i32_0 = arith.constant 0 : i32
    return %arg0, %c0_i32 : i32, i32
  }
}

module attributes {stable_mosaic.version = 14 : i64} {
  func.func @k3_body(%arg0: i32, %arg1: memref<2x2000x128xf32, #tpu.memory_space<vmem>>, %arg2: memref<2000x128xf32, #tpu.memory_space<vmem>>, %arg3: memref<2x2000x128xf32, #tpu.memory_space<vmem>>, %arg4: memref<1x128xf32, #tpu.memory_space<vmem>>, %arg5: memref<128x128xf32, #tpu.memory_space<vmem>>, %arg6: memref<2000x128xf32, #tpu.memory_space<vmem>>) attributes {dimension_semantics = [#tpu.dimension_semantics<arbitrary>], iteration_bounds = array<i64: 5>, scalar_prefetch = 0 : i64, scratch_operands = 0 : i64, tpu.core_type = #tpu.core_type<tc>, window_params = [{transform_indices = @transform_0, window_bounds = array<i64: 2, 2000, 128>}, {transform_indices = @transform_1, window_bounds = array<i64: 2000, 128>}, {transform_indices = @transform_2, window_bounds = array<i64: 2, 2000, 128>}, {pipeline_mode = #tpu.pipeline_mode<synchronous>, transform_indices = @transform_3, window_bounds = array<i64: 1, 128>}, {pipeline_mode = #tpu.pipeline_mode<synchronous>, transform_indices = @transform_4, window_bounds = array<i64: 128, 128>}, {transform_indices = @transform_5, window_bounds = array<i64: 2000, 128>}]} {
    %get3A = arith.constant 0 : index
    %get3A_0 = arith.constant 0 : index
    %get3A_1 = arith.constant 0 : index
    %get3A_2 = vector.load %arg3[%get3A, %get3A_0, %get3A_1] : memref<2x2000x128xf32, #tpu.memory_space<vmem>>, vector<1x2000x1xf32>
    %get3A_3 = vector.shape_cast %get3A_2 : vector<1x2000x1xf32> to vector<2000x1xf32>
    %get3A_4 = arith.constant 1 : index
    %get3A_5 = arith.constant 0 : index
    %get3A_6 = arith.constant 0 : index
    %get3A_7 = vector.load %arg3[%get3A_4, %get3A_5, %get3A_6] : memref<2x2000x128xf32, #tpu.memory_space<vmem>>, vector<1x2000x1xf32>
    %get3A_8 = vector.shape_cast %get3A_7 : vector<1x2000x1xf32> to vector<2000x1xf32>
    %add3A = arith.addf %get3A_3, %get3A_8 : vector<2000x1xf32>
    %add3A_9 = arith.constant 1.000000e+00 : f32
    %add3A_10 = vector.broadcast %add3A_9 : f32 to vector<2000x1xf32>
    %add3A_11 = arith.addf %add3A, %add3A_10 : vector<2000x1xf32>
    %rsqrt3A = math.rsqrt %add3A_11 : vector<2000x1xf32>
    %get3A_12 = arith.constant 0 : index
    %get3A_13 = arith.constant 0 : index
    %get3A_14 = arith.constant 0 : index
    %get3A_15 = vector.load %arg1[%get3A_12, %get3A_13, %get3A_14] : memref<2x2000x128xf32, #tpu.memory_space<vmem>>, vector<1x2000x128xf32>
    %get3A_16 = vector.shape_cast %get3A_15 : vector<1x2000x128xf32> to vector<2000x128xf32>
    %get3A_17 = arith.constant 1 : index
    %get3A_18 = arith.constant 0 : index
    %get3A_19 = arith.constant 0 : index
    %get3A_20 = vector.load %arg1[%get3A_17, %get3A_18, %get3A_19] : memref<2x2000x128xf32, #tpu.memory_space<vmem>>, vector<1x2000x128xf32>
    %get3A_21 = vector.shape_cast %get3A_20 : vector<1x2000x128xf32> to vector<2000x128xf32>
    %add3A_22 = arith.addf %get3A_16, %get3A_21 : vector<2000x128xf32>
    %get3A_23 = arith.constant 0 : index
    %get3A_24 = arith.constant 0 : index
    %get3A_25 = vector.load %arg2[%get3A_23, %get3A_24] : memref<2000x128xf32, #tpu.memory_space<vmem>>, vector<2000x128xf32>
    %add3A_26 = arith.addf %add3A_22, %get3A_25 : vector<2000x128xf32>
    %mul3A = vector.broadcast %rsqrt3A : vector<2000x1xf32> to vector<2000x128xf32>
    %mul3A_27 = arith.mulf %add3A_26, %mul3A : vector<2000x128xf32>
    %get3A_28 = arith.constant 0 : index
    %get3A_29 = arith.constant 0 : index
    %get3A_30 = vector.load %arg4[%get3A_28, %get3A_29] : memref<1x128xf32, #tpu.memory_space<vmem>>, vector<1x128xf32>
    %add3A_31 = vector.broadcast %get3A_30 : vector<1x128xf32> to vector<2000x128xf32>
    %add3A_32 = arith.addf %mul3A_27, %add3A_31 : vector<2000x128xf32>
    %max3A = arith.constant 0.000000e+00 : f32
    %max3A_33 = vector.broadcast %max3A : f32 to vector<2000x128xf32>
    %max3A_34 = arith.maximumf %add3A_32, %max3A_33 : vector<2000x128xf32>
    %get3A_35 = arith.constant 0 : index
    %get3A_36 = arith.constant 0 : index
    %get3A_37 = vector.load %arg5[%get3A_35, %get3A_36] : memref<128x128xf32, #tpu.memory_space<vmem>>, vector<128x128xf32>
    %dot_general3A = arith.constant dense<0.000000e+00> : vector<2000x128xf32>
    %dot_general3A_38 = tpu.matmul %max3A_34, %get3A_37, %dot_general3A {dimension_numbers = #tpu.dot_dimension_numbers<[1], [0], [0], [1], [0, 0, 1, 1], [], []>, transpose_lhs_hint = false} : vector<2000x128xf32>, vector<128x128xf32>, vector<2000x128xf32> -> vector<2000x128xf32>
    %mul3A_39 = vector.broadcast %rsqrt3A : vector<2000x1xf32> to vector<2000x128xf32>
    %mul3A_40 = arith.mulf %dot_general3A_38, %mul3A_39 : vector<2000x128xf32>
    %swap3A = arith.constant 0 : index
    %swap3A_41 = arith.constant 0 : index
    %swap3A_42 = vector.load %arg6[%swap3A, %swap3A_41] : memref<2000x128xf32, #tpu.memory_space<vmem>>, vector<2000x128xf32>
    tpu.vector_store %arg6[%swap3A, %swap3A_41], %mul3A_40 {strides = array<i32>} : memref<2000x128xf32, #tpu.memory_space<vmem>>, vector<2000x128xf32>,
    return
  }
  func.func @transform_0(%arg0: i32) -> (i32, i32, i32) {
    %c0_i32 = arith.constant 0 : i32
    %c0_i32_0 = arith.constant 0 : i32
    %c0_i32_1 = arith.constant 0 : i32
    return %c0_i32, %arg0, %c0_i32_0 : i32, i32, i32
  }
  func.func @transform_1(%arg0: i32) -> (i32, i32) {
    %c0_i32 = arith.constant 0 : i32
    %c0_i32_0 = arith.constant 0 : i32
    return %arg0, %c0_i32 : i32, i32
  }
  func.func @transform_2(%arg0: i32) -> (i32, i32, i32) {
    %c0_i32 = arith.constant 0 : i32
    %c0_i32_0 = arith.constant 0 : i32
    %c0_i32_1 = arith.constant 0 : i32
    return %c0_i32, %arg0, %c0_i32_0 : i32, i32, i32
  }
  func.func @transform_3(%arg0: i32) -> (i32, i32) {
    %c0_i32 = arith.constant 0 : i32
    %c0_i32_0 = arith.constant 0 : i32
    %c0_i32_1 = arith.constant 0 : i32
    return %c0_i32, %c0_i32_0 : i32, i32
  }
  func.func @transform_4(%arg0: i32) -> (i32, i32) {
    %c0_i32 = arith.constant 0 : i32
    %c0_i32_0 = arith.constant 0 : i32
    %c0_i32_1 = arith.constant 0 : i32
    return %c0_i32, %c0_i32_0 : i32, i32
  }
  func.func @transform_5(%arg0: i32) -> (i32, i32) {
    %c0_i32 = arith.constant 0 : i32
    %c0_i32_0 = arith.constant 0 : i32
    return %arg0, %c0_i32 : i32, i32
  }
}

module attributes {stable_mosaic.version = 14 : i64} {
  func.func @k5_body(%arg0: i32, %arg1: memref<2x2000x128xf32, #tpu.memory_space<vmem>>, %arg2: memref<2000x128xf32, #tpu.memory_space<vmem>>, %arg3: memref<2x2000x128xf32, #tpu.memory_space<vmem>>, %arg4: memref<1x128xf32, #tpu.memory_space<vmem>>, %arg5: memref<2000x128xf32, #tpu.memory_space<vmem>>) attributes {dimension_semantics = [#tpu.dimension_semantics<arbitrary>], iteration_bounds = array<i64: 5>, scalar_prefetch = 0 : i64, scratch_operands = 0 : i64, tpu.core_type = #tpu.core_type<tc>, window_params = [{transform_indices = @transform_0, window_bounds = array<i64: 2, 2000, 128>}, {transform_indices = @transform_1, window_bounds = array<i64: 2000, 128>}, {transform_indices = @transform_2, window_bounds = array<i64: 2, 2000, 128>}, {pipeline_mode = #tpu.pipeline_mode<synchronous>, transform_indices = @transform_3, window_bounds = array<i64: 1, 128>}, {transform_indices = @transform_4, window_bounds = array<i64: 2000, 128>}]} {
    %get3A = arith.constant 0 : index
    %get3A_0 = arith.constant 0 : index
    %get3A_1 = arith.constant 0 : index
    %get3A_2 = vector.load %arg1[%get3A, %get3A_0, %get3A_1] : memref<2x2000x128xf32, #tpu.memory_space<vmem>>, vector<1x2000x128xf32>
    %get3A_3 = vector.shape_cast %get3A_2 : vector<1x2000x128xf32> to vector<2000x128xf32>
    %get3A_4 = arith.constant 1 : index
    %get3A_5 = arith.constant 0 : index
    %get3A_6 = arith.constant 0 : index
    %get3A_7 = vector.load %arg1[%get3A_4, %get3A_5, %get3A_6] : memref<2x2000x128xf32, #tpu.memory_space<vmem>>, vector<1x2000x128xf32>
    %get3A_8 = vector.shape_cast %get3A_7 : vector<1x2000x128xf32> to vector<2000x128xf32>
    %add3A = arith.addf %get3A_3, %get3A_8 : vector<2000x128xf32>
    %get3A_9 = arith.constant 0 : index
    %get3A_10 = arith.constant 0 : index
    %get3A_11 = vector.load %arg2[%get3A_9, %get3A_10] : memref<2000x128xf32, #tpu.memory_space<vmem>>, vector<2000x128xf32>
    %add3A_12 = arith.addf %add3A, %get3A_11 : vector<2000x128xf32>
    %get3A_13 = arith.constant 0 : index
    %get3A_14 = arith.constant 0 : index
    %get3A_15 = arith.constant 0 : index
    %get3A_16 = vector.load %arg3[%get3A_13, %get3A_14, %get3A_15] : memref<2x2000x128xf32, #tpu.memory_space<vmem>>, vector<1x2000x1xf32>
    %get3A_17 = vector.shape_cast %get3A_16 : vector<1x2000x1xf32> to vector<2000x1xf32>
    %get3A_18 = arith.constant 1 : index
    %get3A_19 = arith.constant 0 : index
    %get3A_20 = arith.constant 0 : index
    %get3A_21 = vector.load %arg3[%get3A_18, %get3A_19, %get3A_20] : memref<2x2000x128xf32, #tpu.memory_space<vmem>>, vector<1x2000x1xf32>
    %get3A_22 = vector.shape_cast %get3A_21 : vector<1x2000x1xf32> to vector<2000x1xf32>
    %add3A_23 = arith.addf %get3A_17, %get3A_22 : vector<2000x1xf32>
    %add3A_24 = arith.constant 1.000000e+00 : f32
    %add3A_25 = vector.broadcast %add3A_24 : f32 to vector<2000x1xf32>
    %add3A_26 = arith.addf %add3A_23, %add3A_25 : vector<2000x1xf32>
    %rsqrt3A = math.rsqrt %add3A_26 : vector<2000x1xf32>
    %mul3A = vector.broadcast %rsqrt3A : vector<2000x1xf32> to vector<2000x128xf32>
    %mul3A_27 = arith.mulf %add3A_12, %mul3A : vector<2000x128xf32>
    %get3A_28 = arith.constant 0 : index
    %get3A_29 = arith.constant 0 : index
    %get3A_30 = vector.load %arg4[%get3A_28, %get3A_29] : memref<1x128xf32, #tpu.memory_space<vmem>>, vector<1x128xf32>
    %add3A_31 = vector.broadcast %get3A_30 : vector<1x128xf32> to vector<2000x128xf32>
    %add3A_32 = arith.addf %mul3A_27, %add3A_31 : vector<2000x128xf32>
    %swap3A = arith.constant 0 : index
    %swap3A_33 = arith.constant 0 : index
    %swap3A_34 = vector.load %arg5[%swap3A, %swap3A_33] : memref<2000x128xf32, #tpu.memory_space<vmem>>, vector<2000x128xf32>
    tpu.vector_store %arg5[%swap3A, %swap3A_33], %add3A_32 {strides = array<i32>} : memref<2000x128xf32, #tpu.memory_space<vmem>>, vector<2000x128xf32>,
    return
  }
  func.func @transform_0(%arg0: i32) -> (i32, i32, i32) {
    %c0_i32 = arith.constant 0 : i32
    %c0_i32_0 = arith.constant 0 : i32
    %c0_i32_1 = arith.constant 0 : i32
    return %c0_i32, %arg0, %c0_i32_0 : i32, i32, i32
  }
  func.func @transform_1(%arg0: i32) -> (i32, i32) {
    %c0_i32 = arith.constant 0 : i32
    %c0_i32_0 = arith.constant 0 : i32
    return %arg0, %c0_i32 : i32, i32
  }
  func.func @transform_2(%arg0: i32) -> (i32, i32, i32) {
    %c0_i32 = arith.constant 0 : i32
    %c0_i32_0 = arith.constant 0 : i32
    %c0_i32_1 = arith.constant 0 : i32
    return %c0_i32, %arg0, %c0_i32_0 : i32, i32, i32
  }
  func.func @transform_3(%arg0: i32) -> (i32, i32) {
    %c0_i32 = arith.constant 0 : i32
    %c0_i32_0 = arith.constant 0 : i32
    %c0_i32_1 = arith.constant 0 : i32
    return %c0_i32, %c0_i32_0 : i32, i32
  }
  func.func @transform_4(%arg0: i32) -> (i32, i32) {
    %c0_i32 = arith.constant 0 : i32
    %c0_i32_0 = arith.constant 0 : i32
    return %arg0, %c0_i32 : i32, i32
  }
}

</mosaic_0001>

<sc_bundles>
// kernel: kernel.11.cloned.1.call-start
scs
__scs_entry_jumppad:
0x0: {  	(pc) =	sbr.rel $0x88, $3  }
0x1: {  	(tag) =	ssettag $0x0;
	lr =	simm.s32 $0x1  }
0x2: {  	[smem:$0x3F9B] =	sst lr;
	_ =	strace $0xD0000000  }
0x3: {  	_ = 	snop  }
0x4: {  	_ = 	snop  }
0x5: {  	_ = 	snop  }
0x6: {  	_ = 	snop  }
0x7: {  	_ = 	snop  }
__scs_overlays_trampoline_lowered:
0x8: {  	[smem:$0x3FAA] =	sst s0  }
0x9: {  	[smem:$0x3FAB] =	sst s1  }
0xa: {  	[smem:$0x3FAC] =	sst s2  }
0xb: {  	[smem:$0x3FAD] =	sst s3  }
0xc: {  	[smem:$0x3FAE] =	sst s4  }
0xd: {  	[smem:$0x3FAF] =	sst s5  }
0xe: {  	[smem:$0x3FB0] =	sst s6  }
0xf: {  	[smem:$0x3FB1] =	sst s7  }
0x10: {  	[smem:$0x3FB2] =	sst s8  }
0x11: {  	[smem:$0x3FB3] =	sst s9;
	s0 =	simm.s32 @!p0 $0x0  }
0x12: {  	s1 =	sld [smem:$0x3F99];
	s0 =	simm.s32 @p0 $0x1  }
0x13: {  	[smem:$0x3FB4] =	sst s0;
	s0 =	simm.s32 @!p1 $0x0  }
0x14: {  	s2 =	sld [smem:$0x3F98];
	s0 =	simm.s32 @p1 $0x1  }
0x15: {  	[smem:$0x3FB5] =	sst s0;
	s0 =	simm.s32 @!p2 $0x0  }
0x16: {  	s3 =	sld [smem:$0x3FDB];
	s0 =	simm.s32 @p2 $0x1  }
0x17: {  	s4 =	simm.s32 $0x1BF5;
	[smem:$0x3FB7] =	sst s0  }
0x18: {  	s0 =	sld [smem:$0x3F9A];
	_ =	swait.ge [sflag:s4], $0x0  }
0x19: {  	s7 =	sld [smem:$0x3F9B]  }
0x1a: {  	s8 =	sadd.s32 $0xFFFFE003, lr  }
0x1b: {  	s9 =	sadd.s32 $0xFFFFFEF7, lr;
	s5 =	simm.s32 $0xFFFFFFFF;
	p2 =	slt.u32 s8, $0xFFFFF086  }
0x1c: {  	p1 =	slt.u32 s9, $0xF7A;
	s5 =	simm.s32 @!p2 $0x0  }
0x1d: {  	s5 =	simm.s32 @p1 $0x1;
	p0 =	seq.s32 s7, s2  }
0x1e: {  	s7 =	smul.u32 @!p0 $0xF7A, s2;
	p2 =	seq.s32 @!p0 s5, $0x0  }
0x1f: {  	s9 =	smul.u32 $0xF7A, s1;
	s8 =	simm.s32 @!p0 $0x1BF5;
	p2 =	por !p2, p0  }
0x20: {  	[sflag:s8] =	ssyncset.s32 @!p0 $0xFFFFF086;
	s6 =	sadd.s32 @!p0 s3, s7;
	s7 =	simm.s32 @!p0 $0x108  }
0x21: {  	s3 =	sadd.s32 s3, s9;
	s6 =	sadd.s32 @!p0 $0x88, s6;
	s7 =	simm.s32 @p2 $0x1082  }
0x22: {  	[simem:s7], [sflag:s8] =	dma.local @!p0 [hbm:s6], $0xF7A  }
0x23: {  	s9 =	sor.u32 $0xD0000000, s2;
	s6 =	simm.s32 $0x108;
	_ =	swait.ge @!p0 [sflag:s8], $0x0  }
0x24: {  	s3 =	sadd.s32 $0x88, s3;
	s6 =	simm.s32 @!p1 $0x1082;
	[sflag:s4] =	ssyncset.s32 $0xFFFFF086  }
0x25: {  	[simem:s6], [sflag:s4] =	dma.local [hbm:s3], $0xF7A  }
0x26: {  	[smem:$0x3F9B] =	sst s1;
	(tag) =	ssettag s2;
	_ =	strace s9  }
0x27: {  	s1 =	sld [smem:$0x3FAB]  }
0x28: {  	s2 =	sld [smem:$0x3FAC]  }
0x29: {  	s4 =	sld [smem:$0x3FAE]  }
0x2a: {  	p0 =	seq.s32 s5, $0x0;
	s5 =	sld [smem:$0x3FAF]  }
0x2b: {  	s6 =	sld [smem:$0x3FB0]  }
0x2c: {  	s7 =	sld [smem:$0x3FB1]  }
0x2d: {  	s3 =	simm.s32 $0x108;
	s8 =	sld [smem:$0x3FB2]  }
0x2e: {  	s3 =	simm.s32 @!p0 $0x1082;
	s9 =	sld [smem:$0x3FB3]  }
0x2f: {  	lr =	sadd.s32 s0, s3;
	s0 =	sld [smem:$0x3FAA]  }
0x30: {  	s3 =	sld [smem:$0x3FAD]  }
0x31: {  	[smem:$0x3FB6] =	sst s10  }
0x32: {  	s10 =	sld [smem:$0x3FB4];
	_ =	sdelay $0x3  }
0x33: {  	p0 =	seq.s32 s10, $0x1;
	s10 =	sld [smem:$0x3FB6];
	_ =	sdelay $0x3  }
0x34: {  	[smem:$0x3FB6] =	sst s10  }
0x35: {  	s10 =	sld [smem:$0x3FB5];
	_ =	sdelay $0x3  }
0x36: {  	p1 =	seq.s32 s10, $0x1;
	s10 =	sld [smem:$0x3FB6];
	_ =	sdelay $0x3  }
0x37: {  	[smem:$0x3FB6] =	sst s10  }
0x38: {  	s10 =	sld [smem:$0x3FB7]  }
0x39: {  	_ = 	snop;
	(pc) =	sbr.ind lr, $3  }
0x3a: {  	_ = 	snop  }
0x3b: {  	_ = 	snop  }
0x3c: {  	p2 =	seq.s32 s10, $0x1;
	s10 =	sld [smem:$0x3FB6]  }
0x3d: {  	_ =	shalt  }
0x3e: {  	_ =	shalt  }
0x3f: {  	_ =	shalt  }
0x40: {  	_ =	shalt  }
0x41: {  	_ =	shalt  }
0x42: {  	_ =	shalt  }
0x43: {  	_ =	shalt  }
0x44: {  	_ =	shalt  }
0x45: {  	_ =	shalt  }
0x46: {  	_ =	shalt  }
0x47: {  	_ =	shalt  }
0x48: {  	_ =	shalt  }
0x49: {  	_ =	shalt  }
0x4a: {  	_ =	shalt  }
0x4b: {  	_ =	shalt  }
0x4c: {  	_ =	shalt  }
0x4d: {  	_ =	shalt  }
0x4e: {  	_ =	shalt  }
0x4f: {  	_ =	shalt  }
0x50: {  	_ =	shalt  }
0x51: {  	_ =	shalt  }
0x52: {  	_ =	shalt  }
0x53: {  	_ =	shalt  }
0x54: {  	_ =	shalt  }
0x55: {  	_ =	shalt  }
0x56: {  	_ =	shalt  }
0x57: {  	_ =	shalt  }
0x58: {  	_ =	shalt  }
0x59: {  	_ =	shalt  }
0x5a: {  	_ =	shalt  }
0x5b: {  	_ =	shalt  }
0x5c: {  	_ =	shalt  }
0x5d: {  	_ =	shalt  }
0x5e: {  	_ =	shalt  }
0x5f: {  	_ =	shalt  }
0x60: {  	_ =	shalt  }
0x61: {  	_ =	shalt  }
0x62: {  	_ =	shalt  }
0x63: {  	_ =	shalt  }
0x64: {  	_ =	shalt  }
0x65: {  	_ =	shalt  }
0x66: {  	_ =	shalt  }
0x67: {  	_ =	shalt  }
0x68: {  	_ =	shalt  }
0x69: {  	_ =	shalt  }
0x6a: {  	_ =	shalt  }
0x6b: {  	_ =	shalt  }
0x6c: {  	_ =	shalt  }
0x6d: {  	_ =	shalt  }
0x6e: {  	_ =	shalt  }
0x6f: {  	_ =	shalt  }
0x70: {  	_ =	shalt  }
0x71: {  	_ =	shalt  }
0x72: {  	_ =	shalt  }
0x73: {  	_ =	shalt  }
0x74: {  	_ =	shalt  }
0x75: {  	_ =	shalt  }
0x76: {  	_ =	shalt  }
0x77: {  	_ =	shalt  }
0x78: {  	_ =	shalt  }
0x79: {  	_ =	shalt  }
0x7a: {  	_ =	shalt  }
0x7b: {  	_ =	shalt  }
0x7c: {  	_ =	shalt  }
0x7d: {  	_ =	shalt  }
0x7e: {  	_ =	shalt  }
0x7f: {  	_ =	shalt  }
0x80: {  	_ =	shalt  }
0x81: {  	_ =	shalt  }
0x82: {  	_ =	shalt  }
0x83: {  	_ =	shalt  }
0x84: {  	_ =	shalt  }
0x85: {  	_ =	shalt  }
0x86: {  	_ =	shalt  }
0x87: {  	_ =	shalt  }
.Lfunc_end0:
.L_simem_size_0:
called_computation.1_lowered:
.L_overlay_start_0:
0x88: {  	s2 =	sld [smem:$0x3FD9]  }
0x89: {  	s3 =	sld [smem:$0x3FFE];
	_ =	sdelay $0x1  }
0x8a: {  	s1 =	srdreg.scid  }
0x8b: {  	s0 =	sand.u32 $0x1, s1  }
0x8c: {  	s17 =	sshll.u32 s0, $0xA;
	s2 =	sadd.s32 s3, s2  }
0x8d: {  	s2 =	sadd.s32 s2, s17  }
0x8e: {  	[smem:$0x3FC2] =	sst s2  }
0x8f: {  	_ = 	snop  }
0x90: {  	s2 =	sld [smem:$0x3FD0];
	(tm) =	ssettm $0x1  }
0x91: {  	s18 =	sld [smem:$0x3FFB];
	_ =	sdelay $0x3  }
0x92: {  	_ =	strace s18  }
0x93: {  	s3 =	sld [smem:$0x3FFC];
	_ =	sdelay $0x3  }
0x94: {  	_ =	strace s3  }
0x95: {  	s3 =	sld [smem:$0x3FFD];
	_ =	sdelay $0x3  }
0x96: {  	_ =	strace s3  }
0x97: {  	_ =	strace $0x8FFFFFFF  }
0x98: {  	s19 =	sld [smem:$0x3FDB];
	_ =	sdelay $0x1  }
0x99: {  	s4 =	simm.s32 $_scs_section_size  }
0x9a: {  	s5 =	simm.s32 $_size__tile_overlayer_lowered;
	s6 =	simm.s32 $_tile_overlayer_lowered  }
0x9b: {  	s22 =	simm.s32 $0x1BFF;
	s21 =	sshll.u32 s6, $0x1;
	s3 =	sadd.s32 s4, s19  }
0x9c: {  	s7 =	simm.s32 $0x0;
	s20 =	sshll.u32 s5, $0x1;
	s5 =	sadd.s32 s21, s3  }
0x9d: {  	[timem:s7], [sflag:s22] =	dma.local [hbm:s5], s20  }
0x9e: {  	_ =	swait.ge [sflag:s22], s20  }
0x9f: {  	s4 =	ssub.s32 $0x0, s20;
	[sflag:s22] =	ssyncset.done $0x0  }
0xa0: {  	[sflag:s22] =	ssyncadd.s32 s4;
	_ =	sdelay $0x1  }
0xa1: {  	s23 =	simm.s32 $0x1B8B  }
0xa2: {  	_ =	swait.ge [sflag:s23], $0x1  }
0xa3: {  	[sflag:s23] =	ssyncset.done $0x0  }
0xa4: {  	s25 =	simm.s32 $0x1B8E;
	s24 =	sld [smem:$0x3FFE];
	[sflag:s23] =	ssyncadd.s32 $0xFFFFFFFF  }
0xa5: {  	s26 =	simm.s32 $execute0_lowered;
	[smem:$0x3FD2] =	sst s25  }
0xa6: {  	s5 =	sshll.u32 s26, $0x1;
	_ =	strace $0x80000049;
	[dreg:$0x1] =	wrdreg $0xFFFFFFFF  }
0xa7: {  	s28 =	simm.s32 $_size_execute0_lowered;
	s3 =	sadd.s32 s3, s5;
	[dreg:$0x0] =	wrdreg $0x0  }
0xa8: {  	s5 =	sshll.u32 s28, $0x1;
	[dreg:$0x2] =	wrdreg s3  }
0xa9: {  	[dreg:$0x3] =	wrdreg s5  }
0xaa: {  	[dreg:$0x4] =	wrdreg $0xC0  }
0xab: {  	_ =	task [dreg:s7], $0x5FFFF  }
0xac: {  	[dreg:$0x1] =	wrdreg $0xFFFFFFFF  }
0xad: {  	[dreg:$0x0] =	wrdreg $0x60  }
0xae: {  	[dreg:$0x2] =	wrdreg s2  }
0xaf: {  	[dreg:$0x3] =	wrdreg s24  }
0xb0: {  	[dreg:$0x4] =	wrdreg $0xA8000  }
0xb1: {  	[dreg:$0x5] =	wrdreg $0x9  }
0xb2: {  	_ =	task.clear_ibuf [dreg:s7], $0x6FFFF;
	_ =	strace $0x90000049  }
0xb3: {  	s29 =	simm.s32 $0x9;
	_ =	strace $0x8000004B  }
0xb4: {  	_ =	swait.ge [sflag:s29], $0x1  }
0xb5: {  	[sflag:s29] =	ssyncadd.s32 $0xFFFFFFFF  }
0xb6: {  	_ =	strace $0x9000004B  }
0xb7: {  	_ =	sfence  }
0xb8: {  	s30 =	sld [smem:$0x0];
	_ =	sdelay $0x2  }
0xb9: {  	s31 =	sshll.u32 s1, $0xD;
	s1 =	sshrl.u32 s1, $0x2  }
0xba: {  	s3 =	sand.u32 $0x4000, s31;
	s1 =	sadd.s32 s1, s30  }
0xbb: {  	s0 =	sor.u32 s3, s0;
	s1 =	sshll.u32 s1, $0x11  }
0xbc: {  	s0 =	sor.u32 s1, s0  }
0xbd: {  	s0 =	sadd.s32 $0x8F2B, s0  }
0xbe: {  	[sflag:s0] =	ssyncadd.remote.s32 $0x1  }
0xbf: {  	_ =	sfence.sel $0xFFFF  }
0xc0: {  	[dreg:$0x0] =	wrdreg $0xFFFFFFFF;
	(pc) =	sbr.abs _section_cstart, $3  }
0xc1: {  	[dreg:$0x1] =	wrdreg $0xFFFFFFFF  }
0xc2: {  	_ =	task.clear_ibuf [dreg:s7], $0x2FFFF;
	_ =	strace $0x9FFFFFFF  }
0xc3: {  	(tm) =	ssettm $0x7FFFFFFF  }
tec
execute0_lowered:
.L_overlay_start_1:
0x0: {  	(tag) =	ssettag $0x1  }
0x1: {  	s1 =	rddreg [dreg:$0x0]  }
0x2: {  	s6 =	rddreg [dreg:$0x1]  }
0x3: {  	s2 =	rddreg [dreg:$0x2]  }
0x4: {  	s0 =	rddreg [dreg:$0x3]  }
0x5: {  	s4 =	simm.s32 $0x0;
	s3 =	srdreg.scid;
	s16 =	simm.s32 $0x80  }
0x6: {  	s17 =	simm.s32 $0x2800;
	s18 =	simm.s32 $0x1;
	s19 =	simm.s32 $0x6800  }
0x7: {  	s20 =	simm.s32 $0x2;
	s21 =	simm.s32 $0x1380;
	s7 =	sand.u32 $0x1, s3  }
0x8: {  	s22 =	simm.s32 $0x2700;
	s3 =	stileid.u32;
	s8 =	smul.u32 $0x140000, s7  }
0x9: {  	s23 =	simm.s32 $0x2780;
	s24 =	simm.s32 $0x0;
	s10 =	smul.u32 $0x14000, s3  }
0xa: {  	[smem:$0x7FF] =	sst s4;
	s9 =	sadd.s32 $0x55800, s6;
	s12 =	smul.u32 $0x28000, s7  }
0xb: {  	s11 =	sadd.s32 $0x5F800, s6;
	s5 =	sadd.s32 $0x3000, s6;
	s26 =	smul.u32 $0x2800, s3  }
0xc: {  	_ =	strace $0x8000004A;
	s7 =	ssub.s32 $0x2, s7;
	s14 =	smul.u32 $0x50000, s3  }
0xd: {  	s30 =	sshll.u32 s3, $0x6;
	s13 =	sshrl.u32 s7, $0x1;
	s8 =	sadd.s32 s10, s8  }
0xe: {  	s13 =	ssub.s32 s7, s13;
	s28 =	sadd.s32 s26, s12;
	s29 =	sshrl.u32 s14, $0x2  }
0xf: {  	s8 =	sshrl.u32 s8, $0x3;
	s10 =	sshrl.u32 s28, $0x3;
	s14 =	sadd.s32 s29, s2  }
0x10: {  	s12 =	smax.u32 s13, $0x1;
	s15 =	sadd.s32 s8, s6;
	s6 =	sor.u32 $0x1C03, s30  }
0x11: {  	s31 =	sadd.s32 $0x280, s10;
	s7 =	sadd.s32 s9, s10;
	s8 =	sadd.s32 s11, s10  }
0x12: {  	s13 =	sshrl.u32 s14, $0x3;
	s14 =	simm.s32 $0x3;
	s9 =	sadd.s32 s9, s31  }
0x13: {  	s10 =	sadd.s32 s11, s31;
	s11 =	sadd.s32 $0x69800, s15;
	s15 =	simm.s32 $0x1400  }
.LBB2_1:
0x14: {  	[spmem:s13], [sflag:s6] =	dma.local [hbm:s5], $0x2800  }
0x15: {  	_ =	swait.ge [sflag:s14], $0x2800  }
0x16: {  	[sflag:s14] =	ssyncset.done $0x0  }
0x17: {  	[sflag:s14] =	ssyncadd.s32 $0xFFFFD800  }
0x18: {  	[bflag:$0x0] =	sbarrier.arrive $0xFFFF  }
0x19: {  	[tilespmem:s4], [sflag:$0x3] =	stream.linear.gather [hbm4b:s7+s4], $0x1400, $0x38;
	[tilespmem:$0x1E800] =	vst v63  }
0x1a: {  	_ =	swait.ge [sflag:s14], $0x1400  }
0x1b: {  	[sflag:s14] =	ssyncset.done $0x0  }
0x1c: {  	[sflag:s14] =	ssyncadd.s32 $0xFFFFEC00  }
0x1d: {  	[tilespmem:s15], [sflag:$0x3] =	stream.linear.gather [hbm4b:s8+s4], $0x1400, $0x38;
	[tilespmem:$0x1E800] =	vst v63  }
0x1e: {  	_ =	swait.ge [sflag:s14], $0x1400  }
0x1f: {  	[sflag:s14] =	ssyncset.done $0x0  }
0x20: {  	[sflag:s14] =	ssyncadd.s32 $0xFFFFEC00  }
0x21: {  	[tilespmem:s17], [sflag:$0x1] =	stream.indirect.gather [hbm4b:s1+s16], $0x80, s4, s16, $0xb8;
	[tilespmem:$0x1E800] =	vst v63  }
0x22: {  	_ =	swait.ge [sflag:s18], $0x4000  }
0x23: {  	[sflag:s18] =	ssyncset.done $0x0  }
0x24: {  	s25 =	simm.s32 $0x80;
	[sflag:s18] =	ssyncadd.s32 $0xFFFFC000  }
0x25: {  	[tilespmem:s19], [sflag:$0x2] =	stream.indirect.gather [hbm4b:s1+s16], $0x80, s25, s16, $0xb8;
	[tilespmem:$0x1E800] =	vst v63  }
0x26: {  	s29 =	simm.s32 $0x1400  }
0x27: {  	[spmem:s2] =	stream.indirect.scatter.add.f32 [tilespmem:s17], [sflag:$0x3], $0x80, s29, s16, $0xb8;
	[tilespmem:$0x1E800] =	vst v63  }
0x28: {  	_ =	swait.ge [sflag:s14], $0x4000  }
0x29: {  	[sflag:s14] =	ssyncset.done $0x0  }
0x2a: {  	[sflag:s14] =	ssyncadd.s32 $0xFFFFC000  }
0x2b: {  	_ =	swait.ge [sflag:s20], $0x4000  }
0x2c: {  	[sflag:s20] =	ssyncset.done $0x0  }
0x2d: {  	s30 =	simm.s32 $0x100;
	[sflag:s20] =	ssyncadd.s32 $0xFFFFC000  }
0x2e: {  	[tilespmem:s17], [sflag:$0x1] =	stream.indirect.gather [hbm4b:s1+s16], $0x80, s30, s16, $0xb8;
	[tilespmem:$0x1E800] =	vst v63  }
0x2f: {  	s31 =	simm.s32 $0x1480  }
0x30: {  	[spmem:s2] =	stream.indirect.scatter.add.f32 [tilespmem:s19], [sflag:$0x3], $0x80, s31, s16, $0xb8;
	[tilespmem:$0x1E800] =	vst v63  }
0x31: {  	_ =	swait.ge [sflag:s14], $0x4000  }
0x32: {  	s25 =	simm.s32 $0x400;
	[sflag:s14] =	ssyncset.done $0x0  }
.LBB2_2:
0x33: {  	p0 =	sne.s32 s25, $0x4800  }
0x34: {  	[sflag:s14] =	ssyncadd.s32 $0xFFFFC000;
	s26 =	smov.u32 s25;
	s25 =	sadd.s32 $0x400, s25  }
0x35: {  	_ = 	snop  }
0x36: {  	_ =	swait.ge [sflag:s18], $0x4000  }
0x37: {  	s26 =	sshra.s32 s26, $0x2;
	[sflag:s18] =	ssyncset.done $0x0  }
0x38: {  	s28 =	sadd.s32 $0x80, s26;
	[sflag:s18] =	ssyncadd.s32 $0xFFFFC000  }
0x39: {  	[tilespmem:s19], [sflag:$0x2] =	stream.indirect.gather [hbm4b:s1+s16], $0x80, s28, s16, $0xb8;
	[tilespmem:$0x1E800] =	vst v63  }
0x3a: {  	s28 =	sadd.s32 $0x1400, s26  }
0x3b: {  	[spmem:s2] =	stream.indirect.scatter.add.f32 [tilespmem:s17], [sflag:$0x3], $0x80, s28, s16, $0xb8;
	[tilespmem:$0x1E800] =	vst v63  }
0x3c: {  	_ =	swait.ge [sflag:s14], $0x4000  }
0x3d: {  	[sflag:s14] =	ssyncset.done $0x0  }
0x3e: {  	[sflag:s14] =	ssyncadd.s32 $0xFFFFC000  }
0x3f: {  	_ =	swait.ge [sflag:s20], $0x4000  }
0x40: {  	[sflag:s20] =	ssyncset.done $0x0  }
0x41: {  	s28 =	sadd.s32 $0x100, s26;
	[sflag:s20] =	ssyncadd.s32 $0xFFFFC000  }
0x42: {  	[tilespmem:s17], [sflag:$0x1] =	stream.indirect.gather [hbm4b:s1+s16], $0x80, s28, s16, $0xb8;
	[tilespmem:$0x1E800] =	vst v63  }
.Ltmp0:
0x43: {  	_ = 	snop;
	(pc) =	sbr.rel @p0 .LBB2_2-.Ltmp0, $4  }
0x44: {  	s26 =	sadd.s32 $0x1480, s26  }
0x45: {  	[spmem:s2] =	stream.indirect.scatter.add.f32 [tilespmem:s19], [sflag:$0x3], $0x80, s26, s16, $0xb8;
	[tilespmem:$0x1E800] =	vst v63  }
0x46: {  	_ =	swait.ge [sflag:s14], $0x4000  }
0x47: {  	[sflag:s14] =	ssyncset.done $0x0  }
0x48: {  	[sflag:s14] =	ssyncadd.s32 $0xFFFFC000  }
0x49: {  	_ =	swait.ge [sflag:s18], $0x4000  }
0x4a: {  	[sflag:s18] =	ssyncset.done $0x0  }
0x4b: {  	[sflag:s18] =	ssyncadd.s32 $0xFFFFC000  }
0x4c: {  	[tilespmem:s19], [sflag:$0x2] =	stream.indirect.gather [hbm4b:s1+s16], $0x80, s21, s16, $0xb8;
	[tilespmem:$0x1E800] =	vst v63  }
0x4d: {  	_ = 	snop  }
0x4e: {  	[spmem:s2] =	stream.indirect.scatter.add.f32 [tilespmem:s17], [sflag:$0x3], $0x80, s22, s16, $0xb8;
	[tilespmem:$0x1E800] =	vst v63  }
0x4f: {  	_ =	swait.ge [sflag:s14], $0x4000  }
0x50: {  	[sflag:s14] =	ssyncset.done $0x0  }
0x51: {  	[sflag:s14] =	ssyncadd.s32 $0xFFFFC000  }
0x52: {  	_ =	swait.ge [sflag:s20], $0x4000  }
0x53: {  	[sflag:s20] =	ssyncset.done $0x0  }
0x54: {  	[sflag:s20] =	ssyncadd.s32 $0xFFFFC000  }
0x55: {  	[spmem:s2] =	stream.indirect.scatter.add.f32 [tilespmem:s19], [sflag:$0x3], $0x80, s23, s16, $0xb8;
	[tilespmem:$0x1E800] =	vst v63  }
0x56: {  	_ =	swait.ge [sflag:s14], $0x4000  }
0x57: {  	[sflag:s14] =	ssyncset.done $0x0  }
0x58: {  	s25 =	simm.s32 $0x0;
	[sflag:s14] =	ssyncadd.s32 $0xFFFFC000  }
0x59: {  	[tilespmem:s25], [sflag:$0x3] =	stream.linear.gather [hbm4b:s9+s25], $0x1400, $0x38;
	[tilespmem:$0x1E800] =	vst v63  }
0x5a: {  	_ =	swait.ge [sflag:s14], $0x1400  }
0x5b: {  	[sflag:s14] =	ssyncset.done $0x0  }
0x5c: {  	[sflag:s14] =	ssyncadd.s32 $0xFFFFEC00  }
0x5d: {  	[tilespmem:s15], [sflag:$0x3] =	stream.linear.gather [hbm4b:s10+s25], $0x1400, $0x38;
	[tilespmem:$0x1E800] =	vst v63  }
0x5e: {  	_ =	swait.ge [sflag:s14], $0x1400  }
0x5f: {  	[sflag:s14] =	ssyncset.done $0x0  }
0x60: {  	[sflag:s14] =	ssyncadd.s32 $0xFFFFEC00  }
0x61: {  	[tilespmem:s17], [sflag:$0x1] =	stream.indirect.gather [hbm4b:s1+s16], $0x80, s25, s16, $0xb8;
	[tilespmem:$0x1E800] =	vst v63  }
0x62: {  	_ =	swait.ge [sflag:s18], $0x4000  }
0x63: {  	[sflag:s18] =	ssyncset.done $0x0  }
0x64: {  	s28 =	simm.s32 $0x80;
	[sflag:s18] =	ssyncadd.s32 $0xFFFFC000  }
0x65: {  	[tilespmem:s19], [sflag:$0x2] =	stream.indirect.gather [hbm4b:s1+s16], $0x80, s28, s16, $0xb8;
	[tilespmem:$0x1E800] =	vst v63  }
0x66: {  	s29 =	simm.s32 $0x1400  }
0x67: {  	[spmem:s2] =	stream.indirect.scatter.add.f32 [tilespmem:s17], [sflag:$0x3], $0x80, s29, s16, $0xb8;
	[tilespmem:$0x1E800] =	vst v63  }
0x68: {  	_ =	swait.ge [sflag:s14], $0x4000  }
0x69: {  	[sflag:s14] =	ssyncset.done $0x0  }
0x6a: {  	[sflag:s14] =	ssyncadd.s32 $0xFFFFC000  }
0x6b: {  	_ =	swait.ge [sflag:s20], $0x4000  }
0x6c: {  	[sflag:s20] =	ssyncset.done $0x0  }
0x6d: {  	s30 =	simm.s32 $0x100;
	[sflag:s20] =	ssyncadd.s32 $0xFFFFC000  }
0x6e: {  	[tilespmem:s17], [sflag:$0x1] =	stream.indirect.gather [hbm4b:s1+s16], $0x80, s30, s16, $0xb8;
	[tilespmem:$0x1E800] =	vst v63  }
0x6f: {  	s31 =	simm.s32 $0x1480  }
0x70: {  	[spmem:s2] =	stream.indirect.scatter.add.f32 [tilespmem:s19], [sflag:$0x3], $0x80, s31, s16, $0xb8;
	[tilespmem:$0x1E800] =	vst v63  }
0x71: {  	_ =	swait.ge [sflag:s14], $0x4000  }
0x72: {  	s25 =	simm.s32 $0x400;
	[sflag:s14] =	ssyncset.done $0x0  }
.LBB2_4:
0x73: {  	p0 =	sne.s32 s25, $0x4800  }
0x74: {  	[sflag:s14] =	ssyncadd.s32 $0xFFFFC000;
	s26 =	smov.u32 s25;
	s25 =	sadd.s32 $0x400, s25  }
0x75: {  	_ = 	snop  }
0x76: {  	_ =	swait.ge [sflag:s18], $0x4000  }
0x77: {  	s26 =	sshra.s32 s26, $0x2;
	[sflag:s18] =	ssyncset.done $0x0  }
0x78: {  	s28 =	sadd.s32 $0x80, s26;
	[sflag:s18] =	ssyncadd.s32 $0xFFFFC000  }
0x79: {  	[tilespmem:s19], [sflag:$0x2] =	stream.indirect.gather [hbm4b:s1+s16], $0x80, s28, s16, $0xb8;
	[tilespmem:$0x1E800] =	vst v63  }
0x7a: {  	s28 =	sadd.s32 $0x1400, s26  }
0x7b: {  	[spmem:s2] =	stream.indirect.scatter.add.f32 [tilespmem:s17], [sflag:$0x3], $0x80, s28, s16, $0xb8;
	[tilespmem:$0x1E800] =	vst v63  }
0x7c: {  	_ =	swait.ge [sflag:s14], $0x4000  }
0x7d: {  	[sflag:s14] =	ssyncset.done $0x0  }
0x7e: {  	[sflag:s14] =	ssyncadd.s32 $0xFFFFC000  }
0x7f: {  	_ =	swait.ge [sflag:s20], $0x4000  }
0x80: {  	[sflag:s20] =	ssyncset.done $0x0  }
0x81: {  	s28 =	sadd.s32 $0x100, s26;
	[sflag:s20] =	ssyncadd.s32 $0xFFFFC000  }
0x82: {  	[tilespmem:s17], [sflag:$0x1] =	stream.indirect.gather [hbm4b:s1+s16], $0x80, s28, s16, $0xb8;
	[tilespmem:$0x1E800] =	vst v63  }
.Ltmp1:
0x83: {  	_ = 	snop;
	(pc) =	sbr.rel @p0 .LBB2_4-.Ltmp1, $4  }
0x84: {  	s26 =	sadd.s32 $0x1480, s26  }
0x85: {  	[spmem:s2] =	stream.indirect.scatter.add.f32 [tilespmem:s19], [sflag:$0x3], $0x80, s26, s16, $0xb8;
	[tilespmem:$0x1E800] =	vst v63  }
0x86: {  	_ =	swait.ge [sflag:s14], $0x4000  }
0x87: {  	[sflag:s14] =	ssyncset.done $0x0  }
0x88: {  	[sflag:s14] =	ssyncadd.s32 $0xFFFFC000  }
0x89: {  	_ =	swait.ge [sflag:s18], $0x4000  }
0x8a: {  	[sflag:s18] =	ssyncset.done $0x0  }
0x8b: {  	[sflag:s18] =	ssyncadd.s32 $0xFFFFC000  }
0x8c: {  	[spmem:s2] =	stream.indirect.scatter.add.f32 [tilespmem:s17], [sflag:$0x3], $0x80, s22, s16, $0xb8;
	[tilespmem:$0x1E800] =	vst v63  }
0x8d: {  	_ =	swait.ge [sflag:s14], $0x4000  }
0x8e: {  	s24 =	sadd.s32 $0x1, s24;
	[sflag:s14] =	ssyncset.done $0x0  }
0x8f: {  	p0 =	sne.s32 s24, s12;
	[sflag:s14] =	ssyncadd.s32 $0xFFFFC000  }
.Ltmp2:
0x90: {  	[bflag:$0x0] =	sbarrier.arrive $0xFFFF;
	(pc) =	sbr.rel @p0 .LBB2_1-.Ltmp2, $4  }
0x91: {  	[hbm:s11], [sflag:s6] =	dma.local [spmem:s13], $0x2800  }
0x92: {  	_ =	swait.ge [sflag:s14], $0x2800  }
0x93: {  	[sflag:s14] =	ssyncset.done $0x0  }
0x94: {  	[sflag:s14] =	ssyncadd.s32 $0xFFFFD800  }
0x95: {  	_ =	sfence.sel $0x180000  }
0x96: {  	[bflag:$0x0] =	sbarrier.arrive $0xFFFF  }
0x97: {  	p0 =	sne.s32 s3, $0x0;
	_ =	strace $0x9000004A  }
0x98: {  	s0 =	sadd.s32 @!p0 $0x100000, s0;
	[bflag:$0x2] =	sbarrier.arrive $0xFFFF  }
0x99: {  	[sflag:s0] =	ssyncadd.tile.s32 @!p0 $0x1;
	_ =	shalt  }
.Lfunc_end2:
_tile_overlayer_lowered:
.L_overlay_start_2:
0x9a: {  	(tag) =	ssettag $0x2  }
0x9b: {  	s0 =	rddreg [dreg:$0x0];
	s2 =	stileid.u32  }
0x9c: {  	s1 =	rddreg [dreg:$0x1];
	p0 =	sne.s32 s2, $0x0  }
0x9d: {  	s3 =	rddreg [dreg:$0x2];
	[bflag:$0x3] =	sbarrier.arrive $0xFFFF;
	s2 =	simm.s32 @!p0 $0x1C03  }
0x9e: {  	[timem:s3], [sflag:s2] =	dma.local @!p0 [hbm:s0], s1  }
0x9f: {  	s0 =	simm.s32 @!p0 $0x3  }
0xa0: {  	_ =	swait.ge @!p0 [sflag:s0], s1  }
0xa1: {  	s1 =	ssub.s32 @!p0 $0x0, s1;
	[sflag:s0] =	ssyncset.done @!p0 $0x0  }
0xa2: {  	[sflag:s0] =	ssyncadd.s32 @!p0 s1  }
0xa3: {  	[bflag:$0x3] =	sbarrier.arrive $0xFFFF  }
0xa4: {  	_ =	shalt  }

// kernel: kernel.14.cloned.1.call-start
scs
__scs_entry_jumppad:
0x0: {  	(pc) =	sbr.rel $0x88, $3  }
0x1: {  	(tag) =	ssettag $0x0;
	lr =	simm.s32 $0x1  }
0x2: {  	[smem:$0x3F9B] =	sst lr;
	_ =	strace $0xD0000000  }
0x3: {  	_ = 	snop  }
0x4: {  	_ = 	snop  }
0x5: {  	_ = 	snop  }
0x6: {  	_ = 	snop  }
0x7: {  	_ = 	snop  }
__scs_overlays_trampoline_lowered:
0x8: {  	[smem:$0x3FAA] =	sst s0  }
0x9: {  	[smem:$0x3FAB] =	sst s1  }
0xa: {  	[smem:$0x3FAC] =	sst s2  }
0xb: {  	[smem:$0x3FAD] =	sst s3  }
0xc: {  	[smem:$0x3FAE] =	sst s4  }
0xd: {  	[smem:$0x3FAF] =	sst s5  }
0xe: {  	[smem:$0x3FB0] =	sst s6  }
0xf: {  	[smem:$0x3FB1] =	sst s7  }
0x10: {  	[smem:$0x3FB2] =	sst s8  }
0x11: {  	[smem:$0x3FB3] =	sst s9;
	s0 =	simm.s32 @!p0 $0x0  }
0x12: {  	s1 =	sld [smem:$0x3F99];
	s0 =	simm.s32 @p0 $0x1  }
0x13: {  	[smem:$0x3FB4] =	sst s0;
	s0 =	simm.s32 @!p1 $0x0  }
0x14: {  	s2 =	sld [smem:$0x3F98];
	s0 =	simm.s32 @p1 $0x1  }
0x15: {  	[smem:$0x3FB5] =	sst s0;
	s0 =	simm.s32 @!p2 $0x0  }
0x16: {  	s3 =	sld [smem:$0x3FDB];
	s0 =	simm.s32 @p2 $0x1  }
0x17: {  	s4 =	simm.s32 $0x1BF5;
	[smem:$0x3FB7] =	sst s0  }
0x18: {  	s0 =	sld [smem:$0x3F9A];
	_ =	swait.ge [sflag:s4], $0x0  }
0x19: {  	s7 =	sld [smem:$0x3F9B]  }
0x1a: {  	s8 =	sadd.s32 $0xFFFFE003, lr  }
0x1b: {  	s9 =	sadd.s32 $0xFFFFFEF7, lr;
	s5 =	simm.s32 $0xFFFFFFFF;
	p2 =	slt.u32 s8, $0xFFFFF086  }
0x1c: {  	p1 =	slt.u32 s9, $0xF7A;
	s5 =	simm.s32 @!p2 $0x0  }
0x1d: {  	s5 =	simm.s32 @p1 $0x1;
	p0 =	seq.s32 s7, s2  }
0x1e: {  	s7 =	smul.u32 @!p0 $0xF7A, s2;
	p2 =	seq.s32 @!p0 s5, $0x0  }
0x1f: {  	s9 =	smul.u32 $0xF7A, s1;
	s8 =	simm.s32 @!p0 $0x1BF5;
	p2 =	por !p2, p0  }
0x20: {  	[sflag:s8] =	ssyncset.s32 @!p0 $0xFFFFF086;
	s6 =	sadd.s32 @!p0 s3, s7;
	s7 =	simm.s32 @!p0 $0x108  }
0x21: {  	s3 =	sadd.s32 s3, s9;
	s6 =	sadd.s32 @!p0 $0x88, s6;
	s7 =	simm.s32 @p2 $0x1082  }
0x22: {  	[simem:s7], [sflag:s8] =	dma.local @!p0 [hbm:s6], $0xF7A  }
0x23: {  	s9 =	sor.u32 $0xD0000000, s2;
	s6 =	simm.s32 $0x108;
	_ =	swait.ge @!p0 [sflag:s8], $0x0  }
0x24: {  	s3 =	sadd.s32 $0x88, s3;
	s6 =	simm.s32 @!p1 $0x1082;
	[sflag:s4] =	ssyncset.s32 $0xFFFFF086  }
0x25: {  	[simem:s6], [sflag:s4] =	dma.local [hbm:s3], $0xF7A  }
0x26: {  	[smem:$0x3F9B] =	sst s1;
	(tag) =	ssettag s2;
	_ =	strace s9  }
0x27: {  	s1 =	sld [smem:$0x3FAB]  }
0x28: {  	s2 =	sld [smem:$0x3FAC]  }
0x29: {  	s4 =	sld [smem:$0x3FAE]  }
0x2a: {  	p0 =	seq.s32 s5, $0x0;
	s5 =	sld [smem:$0x3FAF]  }
0x2b: {  	s6 =	sld [smem:$0x3FB0]  }
0x2c: {  	s7 =	sld [smem:$0x3FB1]  }
0x2d: {  	s3 =	simm.s32 $0x108;
	s8 =	sld [smem:$0x3FB2]  }
0x2e: {  	s3 =	simm.s32 @!p0 $0x1082;
	s9 =	sld [smem:$0x3FB3]  }
0x2f: {  	lr =	sadd.s32 s0, s3;
	s0 =	sld [smem:$0x3FAA]  }
0x30: {  	s3 =	sld [smem:$0x3FAD]  }
0x31: {  	[smem:$0x3FB6] =	sst s10  }
0x32: {  	s10 =	sld [smem:$0x3FB4];
	_ =	sdelay $0x3  }
0x33: {  	p0 =	seq.s32 s10, $0x1;
	s10 =	sld [smem:$0x3FB6];
	_ =	sdelay $0x3  }
0x34: {  	[smem:$0x3FB6] =	sst s10  }
0x35: {  	s10 =	sld [smem:$0x3FB5];
	_ =	sdelay $0x3  }
0x36: {  	p1 =	seq.s32 s10, $0x1;
	s10 =	sld [smem:$0x3FB6];
	_ =	sdelay $0x3  }
0x37: {  	[smem:$0x3FB6] =	sst s10  }
0x38: {  	s10 =	sld [smem:$0x3FB7]  }
0x39: {  	_ = 	snop;
	(pc) =	sbr.ind lr, $3  }
0x3a: {  	_ = 	snop  }
0x3b: {  	_ = 	snop  }
0x3c: {  	p2 =	seq.s32 s10, $0x1;
	s10 =	sld [smem:$0x3FB6]  }
0x3d: {  	_ =	shalt  }
0x3e: {  	_ =	shalt  }
0x3f: {  	_ =	shalt  }
0x40: {  	_ =	shalt  }
0x41: {  	_ =	shalt  }
0x42: {  	_ =	shalt  }
0x43: {  	_ =	shalt  }
0x44: {  	_ =	shalt  }
0x45: {  	_ =	shalt  }
0x46: {  	_ =	shalt  }
0x47: {  	_ =	shalt  }
0x48: {  	_ =	shalt  }
0x49: {  	_ =	shalt  }
0x4a: {  	_ =	shalt  }
0x4b: {  	_ =	shalt  }
0x4c: {  	_ =	shalt  }
0x4d: {  	_ =	shalt  }
0x4e: {  	_ =	shalt  }
0x4f: {  	_ =	shalt  }
0x50: {  	_ =	shalt  }
0x51: {  	_ =	shalt  }
0x52: {  	_ =	shalt  }
0x53: {  	_ =	shalt  }
0x54: {  	_ =	shalt  }
0x55: {  	_ =	shalt  }
0x56: {  	_ =	shalt  }
0x57: {  	_ =	shalt  }
0x58: {  	_ =	shalt  }
0x59: {  	_ =	shalt  }
0x5a: {  	_ =	shalt  }
0x5b: {  	_ =	shalt  }
0x5c: {  	_ =	shalt  }
0x5d: {  	_ =	shalt  }
0x5e: {  	_ =	shalt  }
0x5f: {  	_ =	shalt  }
0x60: {  	_ =	shalt  }
0x61: {  	_ =	shalt  }
0x62: {  	_ =	shalt  }
0x63: {  	_ =	shalt  }
0x64: {  	_ =	shalt  }
0x65: {  	_ =	shalt  }
0x66: {  	_ =	shalt  }
0x67: {  	_ =	shalt  }
0x68: {  	_ =	shalt  }
0x69: {  	_ =	shalt  }
0x6a: {  	_ =	shalt  }
0x6b: {  	_ =	shalt  }
0x6c: {  	_ =	shalt  }
0x6d: {  	_ =	shalt  }
0x6e: {  	_ =	shalt  }
0x6f: {  	_ =	shalt  }
0x70: {  	_ =	shalt  }
0x71: {  	_ =	shalt  }
0x72: {  	_ =	shalt  }
0x73: {  	_ =	shalt  }
0x74: {  	_ =	shalt  }
0x75: {  	_ =	shalt  }
0x76: {  	_ =	shalt  }
0x77: {  	_ =	shalt  }
0x78: {  	_ =	shalt  }
0x79: {  	_ =	shalt  }
0x7a: {  	_ =	shalt  }
0x7b: {  	_ =	shalt  }
0x7c: {  	_ =	shalt  }
0x7d: {  	_ =	shalt  }
0x7e: {  	_ =	shalt  }
0x7f: {  	_ =	shalt  }
0x80: {  	_ =	shalt  }
0x81: {  	_ =	shalt  }
0x82: {  	_ =	shalt  }
0x83: {  	_ =	shalt  }
0x84: {  	_ =	shalt  }
0x85: {  	_ =	shalt  }
0x86: {  	_ =	shalt  }
0x87: {  	_ =	shalt  }
.Lfunc_end0:
.L_simem_size_0:
called_computation.2_lowered:
.L_overlay_start_0:
0x88: {  	s2 =	sld [smem:$0x3FD9]  }
0x89: {  	s3 =	sld [smem:$0x3FFE];
	_ =	sdelay $0x1  }
0x8a: {  	s1 =	srdreg.scid  }
0x8b: {  	s0 =	sand.u32 $0x1, s1  }
0x8c: {  	s17 =	sshll.u32 s0, $0xA;
	s2 =	sadd.s32 s3, s2  }
0x8d: {  	s2 =	sadd.s32 s2, s17  }
0x8e: {  	[smem:$0x3FC2] =	sst s2  }
0x8f: {  	_ = 	snop  }
0x90: {  	s2 =	sld [smem:$0x3FD0];
	(tm) =	ssettm $0x1  }
0x91: {  	s18 =	sld [smem:$0x3FFB];
	_ =	sdelay $0x3  }
0x92: {  	_ =	strace s18  }
0x93: {  	s3 =	sld [smem:$0x3FFC];
	_ =	sdelay $0x3  }
0x94: {  	_ =	strace s3  }
0x95: {  	s3 =	sld [smem:$0x3FFD];
	_ =	sdelay $0x3  }
0x96: {  	_ =	strace s3  }
0x97: {  	_ =	strace $0x8FFFFFFF  }
0x98: {  	s19 =	sld [smem:$0x3FDB];
	_ =	sdelay $0x1  }
0x99: {  	s4 =	simm.s32 $_scs_section_size  }
0x9a: {  	s5 =	simm.s32 $_size__tile_overlayer_lowered;
	s6 =	simm.s32 $_tile_overlayer_lowered  }
0x9b: {  	s22 =	simm.s32 $0x1BFF;
	s21 =	sshll.u32 s6, $0x1;
	s3 =	sadd.s32 s4, s19  }
0x9c: {  	s7 =	simm.s32 $0x0;
	s20 =	sshll.u32 s5, $0x1;
	s5 =	sadd.s32 s21, s3  }
0x9d: {  	[timem:s7], [sflag:s22] =	dma.local [hbm:s5], s20  }
0x9e: {  	_ =	swait.ge [sflag:s22], s20  }
0x9f: {  	s4 =	ssub.s32 $0x0, s20;
	[sflag:s22] =	ssyncset.done $0x0  }
0xa0: {  	[sflag:s22] =	ssyncadd.s32 s4;
	_ =	sdelay $0x1  }
0xa1: {  	s23 =	simm.s32 $0x1B8B  }
0xa2: {  	_ =	swait.ge [sflag:s23], $0x1  }
0xa3: {  	[sflag:s23] =	ssyncset.done $0x0  }
0xa4: {  	s25 =	simm.s32 $0x1B8E;
	s24 =	sld [smem:$0x3FFE];
	[sflag:s23] =	ssyncadd.s32 $0xFFFFFFFF  }
0xa5: {  	s26 =	simm.s32 $execute0_lowered;
	[smem:$0x3FD2] =	sst s25  }
0xa6: {  	s5 =	sshll.u32 s26, $0x1;
	_ =	strace $0x8000004C;
	[dreg:$0x1] =	wrdreg $0xFFFFFFFF  }
0xa7: {  	s28 =	simm.s32 $_size_execute0_lowered;
	s3 =	sadd.s32 s3, s5;
	[dreg:$0x0] =	wrdreg $0x0  }
0xa8: {  	s5 =	sshll.u32 s28, $0x1;
	[dreg:$0x2] =	wrdreg s3  }
0xa9: {  	[dreg:$0x3] =	wrdreg s5  }
0xaa: {  	[dreg:$0x4] =	wrdreg $0xC0  }
0xab: {  	_ =	task [dreg:s7], $0x5FFFF  }
0xac: {  	[dreg:$0x1] =	wrdreg $0xFFFFFFFF  }
0xad: {  	[dreg:$0x0] =	wrdreg $0x60  }
0xae: {  	[dreg:$0x2] =	wrdreg s2  }
0xaf: {  	[dreg:$0x3] =	wrdreg s24  }
0xb0: {  	[dreg:$0x4] =	wrdreg $0xA8000  }
0xb1: {  	[dreg:$0x5] =	wrdreg $0x9  }
0xb2: {  	_ =	task.clear_ibuf [dreg:s7], $0x6FFFF;
	_ =	strace $0x9000004C  }
0xb3: {  	s29 =	simm.s32 $0x9;
	_ =	strace $0x8000004E  }
0xb4: {  	_ =	swait.ge [sflag:s29], $0x1  }
0xb5: {  	[sflag:s29] =	ssyncadd.s32 $0xFFFFFFFF  }
0xb6: {  	_ =	strace $0x9000004E  }
0xb7: {  	_ =	sfence  }
0xb8: {  	s30 =	sld [smem:$0x0];
	_ =	sdelay $0x2  }
0xb9: {  	s31 =	sshll.u32 s1, $0xD;
	s1 =	sshrl.u32 s1, $0x2  }
0xba: {  	s3 =	sand.u32 $0x4000, s31;
	s1 =	sadd.s32 s1, s30  }
0xbb: {  	s0 =	sor.u32 s3, s0;
	s1 =	sshll.u32 s1, $0x11  }
0xbc: {  	s0 =	sor.u32 s1, s0  }
0xbd: {  	s0 =	sadd.s32 $0x8F2B, s0  }
0xbe: {  	[sflag:s0] =	ssyncadd.remote.s32 $0x1  }
0xbf: {  	_ =	sfence.sel $0xFFFF  }
0xc0: {  	[dreg:$0x0] =	wrdreg $0xFFFFFFFF;
	(pc) =	sbr.abs _section_cstart, $3  }
0xc1: {  	[dreg:$0x1] =	wrdreg $0xFFFFFFFF  }
0xc2: {  	_ =	task.clear_ibuf [dreg:s7], $0x2FFFF;
	_ =	strace $0x9FFFFFFF  }
0xc3: {  	(tm) =	ssettm $0x7FFFFFFF  }
tec
execute0_lowered:
.L_overlay_start_1:
0x0: {  	(tag) =	ssettag $0x1  }
0x1: {  	s1 =	rddreg [dreg:$0x0]  }
0x2: {  	s6 =	rddreg [dreg:$0x1]  }
0x3: {  	s2 =	rddreg [dreg:$0x2]  }
0x4: {  	s0 =	rddreg [dreg:$0x3]  }
0x5: {  	s4 =	simm.s32 $0x0;
	s3 =	srdreg.scid;
	s16 =	simm.s32 $0x80  }
0x6: {  	s17 =	simm.s32 $0x2800;
	s18 =	simm.s32 $0x1;
	s19 =	simm.s32 $0x6800  }
0x7: {  	s20 =	simm.s32 $0x2;
	s21 =	simm.s32 $0x1380;
	s7 =	sand.u32 $0x1, s3  }
0x8: {  	s22 =	simm.s32 $0x2700;
	s3 =	stileid.u32;
	s8 =	smul.u32 $0x140000, s7  }
0x9: {  	s23 =	simm.s32 $0x2780;
	s24 =	simm.s32 $0x0;
	s10 =	smul.u32 $0x14000, s3  }
0xa: {  	[smem:$0x7FF] =	sst s4;
	s9 =	sadd.s32 $0x55800, s6;
	s12 =	smul.u32 $0x28000, s7  }
0xb: {  	s11 =	sadd.s32 $0x5F800, s6;
	s5 =	sadd.s32 $0x3000, s6;
	s26 =	smul.u32 $0x2800, s3  }
0xc: {  	_ =	strace $0x8000004D;
	s7 =	ssub.s32 $0x2, s7;
	s14 =	smul.u32 $0x50000, s3  }
0xd: {  	s30 =	sshll.u32 s3, $0x6;
	s13 =	sshrl.u32 s7, $0x1;
	s8 =	sadd.s32 s10, s8  }
0xe: {  	s13 =	ssub.s32 s7, s13;
	s28 =	sadd.s32 s26, s12;
	s29 =	sshrl.u32 s14, $0x2  }
0xf: {  	s8 =	sshrl.u32 s8, $0x3;
	s10 =	sshrl.u32 s28, $0x3;
	s14 =	sadd.s32 s29, s2  }
0x10: {  	s12 =	smax.u32 s13, $0x1;
	s15 =	sadd.s32 s8, s6;
	s6 =	sor.u32 $0x1C03, s30  }
0x11: {  	s31 =	sadd.s32 $0x280, s10;
	s7 =	sadd.s32 s9, s10;
	s8 =	sadd.s32 s11, s10  }
0x12: {  	s13 =	sshrl.u32 s14, $0x3;
	s14 =	simm.s32 $0x3;
	s9 =	sadd.s32 s9, s31  }
0x13: {  	s10 =	sadd.s32 s11, s31;
	s11 =	sadd.s32 $0x69800, s15;
	s15 =	simm.s32 $0x1400  }
.LBB2_1:
0x14: {  	[spmem:s13], [sflag:s6] =	dma.local [hbm:s5], $0x2800  }
0x15: {  	_ =	swait.ge [sflag:s14], $0x2800  }
0x16: {  	[sflag:s14] =	ssyncset.done $0x0  }
0x17: {  	[sflag:s14] =	ssyncadd.s32 $0xFFFFD800  }
0x18: {  	[bflag:$0x0] =	sbarrier.arrive $0xFFFF  }
0x19: {  	[tilespmem:s4], [sflag:$0x3] =	stream.linear.gather [hbm4b:s7+s4], $0x1400, $0x38;
	[tilespmem:$0x1E800] =	vst v63  }
0x1a: {  	_ =	swait.ge [sflag:s14], $0x1400  }
0x1b: {  	[sflag:s14] =	ssyncset.done $0x0  }
0x1c: {  	[sflag:s14] =	ssyncadd.s32 $0xFFFFEC00  }
0x1d: {  	[tilespmem:s15], [sflag:$0x3] =	stream.linear.gather [hbm4b:s8+s4], $0x1400, $0x38;
	[tilespmem:$0x1E800] =	vst v63  }
0x1e: {  	_ =	swait.ge [sflag:s14], $0x1400  }
0x1f: {  	[sflag:s14] =	ssyncset.done $0x0  }
0x20: {  	[sflag:s14] =	ssyncadd.s32 $0xFFFFEC00  }
0x21: {  	[tilespmem:s17], [sflag:$0x1] =	stream.indirect.gather [hbm4b:s1+s16], $0x80, s4, s16, $0xb8;
	[tilespmem:$0x1E800] =	vst v63  }
0x22: {  	_ =	swait.ge [sflag:s18], $0x4000  }
0x23: {  	[sflag:s18] =	ssyncset.done $0x0  }
0x24: {  	s25 =	simm.s32 $0x80;
	[sflag:s18] =	ssyncadd.s32 $0xFFFFC000  }
0x25: {  	[tilespmem:s19], [sflag:$0x2] =	stream.indirect.gather [hbm4b:s1+s16], $0x80, s25, s16, $0xb8;
	[tilespmem:$0x1E800] =	vst v63  }
0x26: {  	s29 =	simm.s32 $0x1400  }
0x27: {  	[spmem:s2] =	stream.indirect.scatter.add.f32 [tilespmem:s17], [sflag:$0x3], $0x80, s29, s16, $0xb8;
	[tilespmem:$0x1E800] =	vst v63  }
0x28: {  	_ =	swait.ge [sflag:s14], $0x4000  }
0x29: {  	[sflag:s14] =	ssyncset.done $0x0  }
0x2a: {  	[sflag:s14] =	ssyncadd.s32 $0xFFFFC000  }
0x2b: {  	_ =	swait.ge [sflag:s20], $0x4000  }
0x2c: {  	[sflag:s20] =	ssyncset.done $0x0  }
0x2d: {  	s30 =	simm.s32 $0x100;
	[sflag:s20] =	ssyncadd.s32 $0xFFFFC000  }
0x2e: {  	[tilespmem:s17], [sflag:$0x1] =	stream.indirect.gather [hbm4b:s1+s16], $0x80, s30, s16, $0xb8;
	[tilespmem:$0x1E800] =	vst v63  }
0x2f: {  	s31 =	simm.s32 $0x1480  }
0x30: {  	[spmem:s2] =	stream.indirect.scatter.add.f32 [tilespmem:s19], [sflag:$0x3], $0x80, s31, s16, $0xb8;
	[tilespmem:$0x1E800] =	vst v63  }
0x31: {  	_ =	swait.ge [sflag:s14], $0x4000  }
0x32: {  	s25 =	simm.s32 $0x400;
	[sflag:s14] =	ssyncset.done $0x0  }
.LBB2_2:
0x33: {  	p0 =	sne.s32 s25, $0x4800  }
0x34: {  	[sflag:s14] =	ssyncadd.s32 $0xFFFFC000;
	s26 =	smov.u32 s25;
	s25 =	sadd.s32 $0x400, s25  }
0x35: {  	_ = 	snop  }
0x36: {  	_ =	swait.ge [sflag:s18], $0x4000  }
0x37: {  	s26 =	sshra.s32 s26, $0x2;
	[sflag:s18] =	ssyncset.done $0x0  }
0x38: {  	s28 =	sadd.s32 $0x80, s26;
	[sflag:s18] =	ssyncadd.s32 $0xFFFFC000  }
0x39: {  	[tilespmem:s19], [sflag:$0x2] =	stream.indirect.gather [hbm4b:s1+s16], $0x80, s28, s16, $0xb8;
	[tilespmem:$0x1E800] =	vst v63  }
0x3a: {  	s28 =	sadd.s32 $0x1400, s26  }
0x3b: {  	[spmem:s2] =	stream.indirect.scatter.add.f32 [tilespmem:s17], [sflag:$0x3], $0x80, s28, s16, $0xb8;
	[tilespmem:$0x1E800] =	vst v63  }
0x3c: {  	_ =	swait.ge [sflag:s14], $0x4000  }
0x3d: {  	[sflag:s14] =	ssyncset.done $0x0  }
0x3e: {  	[sflag:s14] =	ssyncadd.s32 $0xFFFFC000  }
0x3f: {  	_ =	swait.ge [sflag:s20], $0x4000  }
0x40: {  	[sflag:s20] =	ssyncset.done $0x0  }
0x41: {  	s28 =	sadd.s32 $0x100, s26;
	[sflag:s20] =	ssyncadd.s32 $0xFFFFC000  }
0x42: {  	[tilespmem:s17], [sflag:$0x1] =	stream.indirect.gather [hbm4b:s1+s16], $0x80, s28, s16, $0xb8;
	[tilespmem:$0x1E800] =	vst v63  }
.Ltmp0:
0x43: {  	_ = 	snop;
	(pc) =	sbr.rel @p0 .LBB2_2-.Ltmp0, $4  }
0x44: {  	s26 =	sadd.s32 $0x1480, s26  }
0x45: {  	[spmem:s2] =	stream.indirect.scatter.add.f32 [tilespmem:s19], [sflag:$0x3], $0x80, s26, s16, $0xb8;
	[tilespmem:$0x1E800] =	vst v63  }
0x46: {  	_ =	swait.ge [sflag:s14], $0x4000  }
0x47: {  	[sflag:s14] =	ssyncset.done $0x0  }
0x48: {  	[sflag:s14] =	ssyncadd.s32 $0xFFFFC000  }
0x49: {  	_ =	swait.ge [sflag:s18], $0x4000  }
0x4a: {  	[sflag:s18] =	ssyncset.done $0x0  }
0x4b: {  	[sflag:s18] =	ssyncadd.s32 $0xFFFFC000  }
0x4c: {  	[tilespmem:s19], [sflag:$0x2] =	stream.indirect.gather [hbm4b:s1+s16], $0x80, s21, s16, $0xb8;
	[tilespmem:$0x1E800] =	vst v63  }
0x4d: {  	_ = 	snop  }
0x4e: {  	[spmem:s2] =	stream.indirect.scatter.add.f32 [tilespmem:s17], [sflag:$0x3], $0x80, s22, s16, $0xb8;
	[tilespmem:$0x1E800] =	vst v63  }
0x4f: {  	_ =	swait.ge [sflag:s14], $0x4000  }
0x50: {  	[sflag:s14] =	ssyncset.done $0x0  }
0x51: {  	[sflag:s14] =	ssyncadd.s32 $0xFFFFC000  }
0x52: {  	_ =	swait.ge [sflag:s20], $0x4000  }
0x53: {  	[sflag:s20] =	ssyncset.done $0x0  }
0x54: {  	[sflag:s20] =	ssyncadd.s32 $0xFFFFC000  }
0x55: {  	[spmem:s2] =	stream.indirect.scatter.add.f32 [tilespmem:s19], [sflag:$0x3], $0x80, s23, s16, $0xb8;
	[tilespmem:$0x1E800] =	vst v63  }
0x56: {  	_ =	swait.ge [sflag:s14], $0x4000  }
0x57: {  	[sflag:s14] =	ssyncset.done $0x0  }
0x58: {  	s25 =	simm.s32 $0x0;
	[sflag:s14] =	ssyncadd.s32 $0xFFFFC000  }
0x59: {  	[tilespmem:s25], [sflag:$0x3] =	stream.linear.gather [hbm4b:s9+s25], $0x1400, $0x38;
	[tilespmem:$0x1E800] =	vst v63  }
0x5a: {  	_ =	swait.ge [sflag:s14], $0x1400  }
0x5b: {  	[sflag:s14] =	ssyncset.done $0x0  }
0x5c: {  	[sflag:s14] =	ssyncadd.s32 $0xFFFFEC00  }
0x5d: {  	[tilespmem:s15], [sflag:$0x3] =	stream.linear.gather [hbm4b:s10+s25], $0x1400, $0x38;
	[tilespmem:$0x1E800] =	vst v63  }
0x5e: {  	_ =	swait.ge [sflag:s14], $0x1400  }
0x5f: {  	[sflag:s14] =	ssyncset.done $0x0  }
0x60: {  	[sflag:s14] =	ssyncadd.s32 $0xFFFFEC00  }
0x61: {  	[tilespmem:s17], [sflag:$0x1] =	stream.indirect.gather [hbm4b:s1+s16], $0x80, s25, s16, $0xb8;
	[tilespmem:$0x1E800] =	vst v63  }
0x62: {  	_ =	swait.ge [sflag:s18], $0x4000  }
0x63: {  	[sflag:s18] =	ssyncset.done $0x0  }
0x64: {  	s28 =	simm.s32 $0x80;
	[sflag:s18] =	ssyncadd.s32 $0xFFFFC000  }
0x65: {  	[tilespmem:s19], [sflag:$0x2] =	stream.indirect.gather [hbm4b:s1+s16], $0x80, s28, s16, $0xb8;
	[tilespmem:$0x1E800] =	vst v63  }
0x66: {  	s29 =	simm.s32 $0x1400  }
0x67: {  	[spmem:s2] =	stream.indirect.scatter.add.f32 [tilespmem:s17], [sflag:$0x3], $0x80, s29, s16, $0xb8;
	[tilespmem:$0x1E800] =	vst v63  }
0x68: {  	_ =	swait.ge [sflag:s14], $0x4000  }
0x69: {  	[sflag:s14] =	ssyncset.done $0x0  }
0x6a: {  	[sflag:s14] =	ssyncadd.s32 $0xFFFFC000  }
0x6b: {  	_ =	swait.ge [sflag:s20], $0x4000  }
0x6c: {  	[sflag:s20] =	ssyncset.done $0x0  }
0x6d: {  	s30 =	simm.s32 $0x100;
	[sflag:s20] =	ssyncadd.s32 $0xFFFFC000  }
0x6e: {  	[tilespmem:s17], [sflag:$0x1] =	stream.indirect.gather [hbm4b:s1+s16], $0x80, s30, s16, $0xb8;
	[tilespmem:$0x1E800] =	vst v63  }
0x6f: {  	s31 =	simm.s32 $0x1480  }
0x70: {  	[spmem:s2] =	stream.indirect.scatter.add.f32 [tilespmem:s19], [sflag:$0x3], $0x80, s31, s16, $0xb8;
	[tilespmem:$0x1E800] =	vst v63  }
0x71: {  	_ =	swait.ge [sflag:s14], $0x4000  }
0x72: {  	s25 =	simm.s32 $0x400;
	[sflag:s14] =	ssyncset.done $0x0  }
.LBB2_4:
0x73: {  	p0 =	sne.s32 s25, $0x4800  }
0x74: {  	[sflag:s14] =	ssyncadd.s32 $0xFFFFC000;
	s26 =	smov.u32 s25;
	s25 =	sadd.s32 $0x400, s25  }
0x75: {  	_ = 	snop  }
0x76: {  	_ =	swait.ge [sflag:s18], $0x4000  }
0x77: {  	s26 =	sshra.s32 s26, $0x2;
	[sflag:s18] =	ssyncset.done $0x0  }
0x78: {  	s28 =	sadd.s32 $0x80, s26;
	[sflag:s18] =	ssyncadd.s32 $0xFFFFC000  }
0x79: {  	[tilespmem:s19], [sflag:$0x2] =	stream.indirect.gather [hbm4b:s1+s16], $0x80, s28, s16, $0xb8;
	[tilespmem:$0x1E800] =	vst v63  }
0x7a: {  	s28 =	sadd.s32 $0x1400, s26  }
0x7b: {  	[spmem:s2] =	stream.indirect.scatter.add.f32 [tilespmem:s17], [sflag:$0x3], $0x80, s28, s16, $0xb8;
	[tilespmem:$0x1E800] =	vst v63  }
0x7c: {  	_ =	swait.ge [sflag:s14], $0x4000  }
0x7d: {  	[sflag:s14] =	ssyncset.done $0x0  }
0x7e: {  	[sflag:s14] =	ssyncadd.s32 $0xFFFFC000  }
0x7f: {  	_ =	swait.ge [sflag:s20], $0x4000  }
0x80: {  	[sflag:s20] =	ssyncset.done $0x0  }
0x81: {  	s28 =	sadd.s32 $0x100, s26;
	[sflag:s20] =	ssyncadd.s32 $0xFFFFC000  }
0x82: {  	[tilespmem:s17], [sflag:$0x1] =	stream.indirect.gather [hbm4b:s1+s16], $0x80, s28, s16, $0xb8;
	[tilespmem:$0x1E800] =	vst v63  }
.Ltmp1:
0x83: {  	_ = 	snop;
	(pc) =	sbr.rel @p0 .LBB2_4-.Ltmp1, $4  }
0x84: {  	s26 =	sadd.s32 $0x1480, s26  }
0x85: {  	[spmem:s2] =	stream.indirect.scatter.add.f32 [tilespmem:s19], [sflag:$0x3], $0x80, s26, s16, $0xb8;
	[tilespmem:$0x1E800] =	vst v63  }
0x86: {  	_ =	swait.ge [sflag:s14], $0x4000  }
0x87: {  	[sflag:s14] =	ssyncset.done $0x0  }
0x88: {  	[sflag:s14] =	ssyncadd.s32 $0xFFFFC000  }
0x89: {  	_ =	swait.ge [sflag:s18], $0x4000  }
0x8a: {  	[sflag:s18] =	ssyncset.done $0x0  }
0x8b: {  	[sflag:s18] =	ssyncadd.s32 $0xFFFFC000  }
0x8c: {  	[spmem:s2] =	stream.indirect.scatter.add.f32 [tilespmem:s17], [sflag:$0x3], $0x80, s22, s16, $0xb8;
	[tilespmem:$0x1E800] =	vst v63  }
0x8d: {  	_ =	swait.ge [sflag:s14], $0x4000  }
0x8e: {  	s24 =	sadd.s32 $0x1, s24;
	[sflag:s14] =	ssyncset.done $0x0  }
0x8f: {  	p0 =	sne.s32 s24, s12;
	[sflag:s14] =	ssyncadd.s32 $0xFFFFC000  }
.Ltmp2:
0x90: {  	[bflag:$0x0] =	sbarrier.arrive $0xFFFF;
	(pc) =	sbr.rel @p0 .LBB2_1-.Ltmp2, $4  }
0x91: {  	[hbm:s11], [sflag:s6] =	dma.local [spmem:s13], $0x2800  }
0x92: {  	_ =	swait.ge [sflag:s14], $0x2800  }
0x93: {  	[sflag:s14] =	ssyncset.done $0x0  }
0x94: {  	[sflag:s14] =	ssyncadd.s32 $0xFFFFD800  }
0x95: {  	_ =	sfence.sel $0x180000  }
0x96: {  	[bflag:$0x0] =	sbarrier.arrive $0xFFFF  }
0x97: {  	p0 =	sne.s32 s3, $0x0;
	_ =	strace $0x9000004D  }
0x98: {  	s0 =	sadd.s32 @!p0 $0x100000, s0;
	[bflag:$0x2] =	sbarrier.arrive $0xFFFF  }
0x99: {  	[sflag:s0] =	ssyncadd.tile.s32 @!p0 $0x1;
	_ =	shalt  }
.Lfunc_end2:
_tile_overlayer_lowered:
.L_overlay_start_2:
0x9a: {  	(tag) =	ssettag $0x2  }
0x9b: {  	s0 =	rddreg [dreg:$0x0];
	s2 =	stileid.u32  }
0x9c: {  	s1 =	rddreg [dreg:$0x1];
	p0 =	sne.s32 s2, $0x0  }
0x9d: {  	s3 =	rddreg [dreg:$0x2];
	[bflag:$0x3] =	sbarrier.arrive $0xFFFF;
	s2 =	simm.s32 @!p0 $0x1C03  }
0x9e: {  	[timem:s3], [sflag:s2] =	dma.local @!p0 [hbm:s0], s1  }
0x9f: {  	s0 =	simm.s32 @!p0 $0x3  }
0xa0: {  	_ =	swait.ge @!p0 [sflag:s0], s1  }
0xa1: {  	s1 =	ssub.s32 @!p0 $0x0, s1;
	[sflag:s0] =	ssyncset.done @!p0 $0x0  }
0xa2: {  	[sflag:s0] =	ssyncadd.s32 @!p0 s1  }
0xa3: {  	[bflag:$0x3] =	sbarrier.arrive $0xFFFF  }
0xa4: {  	_ =	shalt  }

// kernel: kernel.8.cloned.1.call-start
scs
__scs_entry_jumppad:
0x0: {  	(pc) =	sbr.rel $0x88, $3  }
0x1: {  	(tag) =	ssettag $0x0;
	lr =	simm.s32 $0x1  }
0x2: {  	[smem:$0x3F9B] =	sst lr;
	_ =	strace $0xD0000000  }
0x3: {  	_ = 	snop  }
0x4: {  	_ = 	snop  }
0x5: {  	_ = 	snop  }
0x6: {  	_ = 	snop  }
0x7: {  	_ = 	snop  }
__scs_overlays_trampoline_lowered:
0x8: {  	[smem:$0x3FAA] =	sst s0  }
0x9: {  	[smem:$0x3FAB] =	sst s1  }
0xa: {  	[smem:$0x3FAC] =	sst s2  }
0xb: {  	[smem:$0x3FAD] =	sst s3  }
0xc: {  	[smem:$0x3FAE] =	sst s4  }
0xd: {  	[smem:$0x3FAF] =	sst s5  }
0xe: {  	[smem:$0x3FB0] =	sst s6  }
0xf: {  	[smem:$0x3FB1] =	sst s7  }
0x10: {  	[smem:$0x3FB2] =	sst s8  }
0x11: {  	[smem:$0x3FB3] =	sst s9;
	s0 =	simm.s32 @!p0 $0x0  }
0x12: {  	s1 =	sld [smem:$0x3F99];
	s0 =	simm.s32 @p0 $0x1  }
0x13: {  	[smem:$0x3FB4] =	sst s0;
	s0 =	simm.s32 @!p1 $0x0  }
0x14: {  	s2 =	sld [smem:$0x3F98];
	s0 =	simm.s32 @p1 $0x1  }
0x15: {  	[smem:$0x3FB5] =	sst s0;
	s0 =	simm.s32 @!p2 $0x0  }
0x16: {  	s3 =	sld [smem:$0x3FDB];
	s0 =	simm.s32 @p2 $0x1  }
0x17: {  	s4 =	simm.s32 $0x1BF5;
	[smem:$0x3FB7] =	sst s0  }
0x18: {  	s0 =	sld [smem:$0x3F9A];
	_ =	swait.ge [sflag:s4], $0x0  }
0x19: {  	s7 =	sld [smem:$0x3F9B]  }
0x1a: {  	s8 =	sadd.s32 $0xFFFFE003, lr  }
0x1b: {  	s9 =	sadd.s32 $0xFFFFFEF7, lr;
	s5 =	simm.s32 $0xFFFFFFFF;
	p2 =	slt.u32 s8, $0xFFFFF086  }
0x1c: {  	p1 =	slt.u32 s9, $0xF7A;
	s5 =	simm.s32 @!p2 $0x0  }
0x1d: {  	s5 =	simm.s32 @p1 $0x1;
	p0 =	seq.s32 s7, s2  }
0x1e: {  	s7 =	smul.u32 @!p0 $0xF7A, s2;
	p2 =	seq.s32 @!p0 s5, $0x0  }
0x1f: {  	s9 =	smul.u32 $0xF7A, s1;
	s8 =	simm.s32 @!p0 $0x1BF5;
	p2 =	por !p2, p0  }
0x20: {  	[sflag:s8] =	ssyncset.s32 @!p0 $0xFFFFF086;
	s6 =	sadd.s32 @!p0 s3, s7;
	s7 =	simm.s32 @!p0 $0x108  }
0x21: {  	s3 =	sadd.s32 s3, s9;
	s6 =	sadd.s32 @!p0 $0x88, s6;
	s7 =	simm.s32 @p2 $0x1082  }
0x22: {  	[simem:s7], [sflag:s8] =	dma.local @!p0 [hbm:s6], $0xF7A  }
0x23: {  	s9 =	sor.u32 $0xD0000000, s2;
	s6 =	simm.s32 $0x108;
	_ =	swait.ge @!p0 [sflag:s8], $0x0  }
0x24: {  	s3 =	sadd.s32 $0x88, s3;
	s6 =	simm.s32 @!p1 $0x1082;
	[sflag:s4] =	ssyncset.s32 $0xFFFFF086  }
0x25: {  	[simem:s6], [sflag:s4] =	dma.local [hbm:s3], $0xF7A  }
0x26: {  	[smem:$0x3F9B] =	sst s1;
	(tag) =	ssettag s2;
	_ =	strace s9  }
0x27: {  	s1 =	sld [smem:$0x3FAB]  }
0x28: {  	s2 =	sld [smem:$0x3FAC]  }
0x29: {  	s4 =	sld [smem:$0x3FAE]  }
0x2a: {  	p0 =	seq.s32 s5, $0x0;
	s5 =	sld [smem:$0x3FAF]  }
0x2b: {  	s6 =	sld [smem:$0x3FB0]  }
0x2c: {  	s7 =	sld [smem:$0x3FB1]  }
0x2d: {  	s3 =	simm.s32 $0x108;
	s8 =	sld [smem:$0x3FB2]  }
0x2e: {  	s3 =	simm.s32 @!p0 $0x1082;
	s9 =	sld [smem:$0x3FB3]  }
0x2f: {  	lr =	sadd.s32 s0, s3;
	s0 =	sld [smem:$0x3FAA]  }
0x30: {  	s3 =	sld [smem:$0x3FAD]  }
0x31: {  	[smem:$0x3FB6] =	sst s10  }
0x32: {  	s10 =	sld [smem:$0x3FB4];
	_ =	sdelay $0x3  }
0x33: {  	p0 =	seq.s32 s10, $0x1;
	s10 =	sld [smem:$0x3FB6];
	_ =	sdelay $0x3  }
0x34: {  	[smem:$0x3FB6] =	sst s10  }
0x35: {  	s10 =	sld [smem:$0x3FB5];
	_ =	sdelay $0x3  }
0x36: {  	p1 =	seq.s32 s10, $0x1;
	s10 =	sld [smem:$0x3FB6];
	_ =	sdelay $0x3  }
0x37: {  	[smem:$0x3FB6] =	sst s10  }
0x38: {  	s10 =	sld [smem:$0x3FB7]  }
0x39: {  	_ = 	snop;
	(pc) =	sbr.ind lr, $3  }
0x3a: {  	_ = 	snop  }
0x3b: {  	_ = 	snop  }
0x3c: {  	p2 =	seq.s32 s10, $0x1;
	s10 =	sld [smem:$0x3FB6]  }
0x3d: {  	_ =	shalt  }
0x3e: {  	_ =	shalt  }
0x3f: {  	_ =	shalt  }
0x40: {  	_ =	shalt  }
0x41: {  	_ =	shalt  }
0x42: {  	_ =	shalt  }
0x43: {  	_ =	shalt  }
0x44: {  	_ =	shalt  }
0x45: {  	_ =	shalt  }
0x46: {  	_ =	shalt  }
0x47: {  	_ =	shalt  }
0x48: {  	_ =	shalt  }
0x49: {  	_ =	shalt  }
0x4a: {  	_ =	shalt  }
0x4b: {  	_ =	shalt  }
0x4c: {  	_ =	shalt  }
0x4d: {  	_ =	shalt  }
0x4e: {  	_ =	shalt  }
0x4f: {  	_ =	shalt  }
0x50: {  	_ =	shalt  }
0x51: {  	_ =	shalt  }
0x52: {  	_ =	shalt  }
0x53: {  	_ =	shalt  }
0x54: {  	_ =	shalt  }
0x55: {  	_ =	shalt  }
0x56: {  	_ =	shalt  }
0x57: {  	_ =	shalt  }
0x58: {  	_ =	shalt  }
0x59: {  	_ =	shalt  }
0x5a: {  	_ =	shalt  }
0x5b: {  	_ =	shalt  }
0x5c: {  	_ =	shalt  }
0x5d: {  	_ =	shalt  }
0x5e: {  	_ =	shalt  }
0x5f: {  	_ =	shalt  }
0x60: {  	_ =	shalt  }
0x61: {  	_ =	shalt  }
0x62: {  	_ =	shalt  }
0x63: {  	_ =	shalt  }
0x64: {  	_ =	shalt  }
0x65: {  	_ =	shalt  }
0x66: {  	_ =	shalt  }
0x67: {  	_ =	shalt  }
0x68: {  	_ =	shalt  }
0x69: {  	_ =	shalt  }
0x6a: {  	_ =	shalt  }
0x6b: {  	_ =	shalt  }
0x6c: {  	_ =	shalt  }
0x6d: {  	_ =	shalt  }
0x6e: {  	_ =	shalt  }
0x6f: {  	_ =	shalt  }
0x70: {  	_ =	shalt  }
0x71: {  	_ =	shalt  }
0x72: {  	_ =	shalt  }
0x73: {  	_ =	shalt  }
0x74: {  	_ =	shalt  }
0x75: {  	_ =	shalt  }
0x76: {  	_ =	shalt  }
0x77: {  	_ =	shalt  }
0x78: {  	_ =	shalt  }
0x79: {  	_ =	shalt  }
0x7a: {  	_ =	shalt  }
0x7b: {  	_ =	shalt  }
0x7c: {  	_ =	shalt  }
0x7d: {  	_ =	shalt  }
0x7e: {  	_ =	shalt  }
0x7f: {  	_ =	shalt  }
0x80: {  	_ =	shalt  }
0x81: {  	_ =	shalt  }
0x82: {  	_ =	shalt  }
0x83: {  	_ =	shalt  }
0x84: {  	_ =	shalt  }
0x85: {  	_ =	shalt  }
0x86: {  	_ =	shalt  }
0x87: {  	_ =	shalt  }
.Lfunc_end0:
.L_simem_size_0:
called_computation_lowered:
.L_overlay_start_0:
0x88: {  	s2 =	sld [smem:$0x3FD9]  }
0x89: {  	s3 =	sld [smem:$0x3FFE];
	_ =	sdelay $0x1  }
0x8a: {  	s1 =	srdreg.scid  }
0x8b: {  	s0 =	sand.u32 $0x1, s1  }
0x8c: {  	s17 =	sshll.u32 s0, $0xA;
	s2 =	sadd.s32 s3, s2  }
0x8d: {  	s2 =	sadd.s32 s2, s17  }
0x8e: {  	[smem:$0x3FC2] =	sst s2  }
0x8f: {  	_ = 	snop  }
0x90: {  	s2 =	sld [smem:$0x3FD0];
	(tm) =	ssettm $0x1  }
0x91: {  	s18 =	sld [smem:$0x3FFB];
	_ =	sdelay $0x3  }
0x92: {  	_ =	strace s18  }
0x93: {  	s3 =	sld [smem:$0x3FFC];
	_ =	sdelay $0x3  }
0x94: {  	_ =	strace s3  }
0x95: {  	s3 =	sld [smem:$0x3FFD];
	_ =	sdelay $0x3  }
0x96: {  	_ =	strace s3  }
0x97: {  	_ =	strace $0x8FFFFFFF  }
0x98: {  	s19 =	sld [smem:$0x3FDB];
	_ =	sdelay $0x1  }
0x99: {  	s4 =	simm.s32 $_scs_section_size  }
0x9a: {  	s5 =	simm.s32 $_size__tile_overlayer_lowered;
	s6 =	simm.s32 $_tile_overlayer_lowered  }
0x9b: {  	s22 =	simm.s32 $0x1BFF;
	s21 =	sshll.u32 s6, $0x1;
	s3 =	sadd.s32 s4, s19  }
0x9c: {  	s7 =	simm.s32 $0x0;
	s20 =	sshll.u32 s5, $0x1;
	s5 =	sadd.s32 s21, s3  }
0x9d: {  	[timem:s7], [sflag:s22] =	dma.local [hbm:s5], s20  }
0x9e: {  	_ =	swait.ge [sflag:s22], s20  }
0x9f: {  	s4 =	ssub.s32 $0x0, s20;
	[sflag:s22] =	ssyncset.done $0x0  }
0xa0: {  	[sflag:s22] =	ssyncadd.s32 s4;
	_ =	sdelay $0x1  }
0xa1: {  	s23 =	simm.s32 $0x1B8B  }
0xa2: {  	_ =	swait.ge [sflag:s23], $0x1  }
0xa3: {  	[sflag:s23] =	ssyncset.done $0x0  }
0xa4: {  	s25 =	simm.s32 $0x1B8E;
	s24 =	sld [smem:$0x3FFE];
	[sflag:s23] =	ssyncadd.s32 $0xFFFFFFFF  }
0xa5: {  	s26 =	simm.s32 $execute0_lowered;
	[smem:$0x3FD2] =	sst s25  }
0xa6: {  	s5 =	sshll.u32 s26, $0x1;
	_ =	strace $0x80000046;
	[dreg:$0x1] =	wrdreg $0xFFFFFFFF  }
0xa7: {  	s28 =	simm.s32 $_size_execute0_lowered;
	s3 =	sadd.s32 s3, s5;
	[dreg:$0x0] =	wrdreg $0x0  }
0xa8: {  	s5 =	sshll.u32 s28, $0x1;
	[dreg:$0x2] =	wrdreg s3  }
0xa9: {  	[dreg:$0x3] =	wrdreg s5  }
0xaa: {  	[dreg:$0x4] =	wrdreg $0xC0  }
0xab: {  	_ =	task [dreg:s7], $0x5FFFF  }
0xac: {  	[dreg:$0x1] =	wrdreg $0xFFFFFFFF  }
0xad: {  	[dreg:$0x0] =	wrdreg $0x60  }
0xae: {  	[dreg:$0x2] =	wrdreg s2  }
0xaf: {  	[dreg:$0x3] =	wrdreg s24  }
0xb0: {  	[dreg:$0x4] =	wrdreg $0x68000  }
0xb1: {  	[dreg:$0x5] =	wrdreg $0x9  }
0xb2: {  	_ =	task.clear_ibuf [dreg:s7], $0x6FFFF;
	_ =	strace $0x90000046  }
0xb3: {  	s29 =	simm.s32 $0x9;
	_ =	strace $0x80000048  }
0xb4: {  	_ =	swait.ge [sflag:s29], $0x1  }
0xb5: {  	[sflag:s29] =	ssyncadd.s32 $0xFFFFFFFF  }
0xb6: {  	_ =	strace $0x90000048  }
0xb7: {  	_ =	sfence  }
0xb8: {  	s30 =	sld [smem:$0x0];
	_ =	sdelay $0x2  }
0xb9: {  	s31 =	sshll.u32 s1, $0xD;
	s1 =	sshrl.u32 s1, $0x2  }
0xba: {  	s3 =	sand.u32 $0x4000, s31;
	s1 =	sadd.s32 s1, s30  }
0xbb: {  	s0 =	sor.u32 s3, s0;
	s1 =	sshll.u32 s1, $0x11  }
0xbc: {  	s0 =	sor.u32 s1, s0  }
0xbd: {  	s0 =	sadd.s32 $0x8F2B, s0  }
0xbe: {  	[sflag:s0] =	ssyncadd.remote.s32 $0x1  }
0xbf: {  	_ =	sfence.sel $0xFFFF  }
0xc0: {  	[dreg:$0x0] =	wrdreg $0xFFFFFFFF;
	(pc) =	sbr.abs _section_cstart, $3  }
0xc1: {  	[dreg:$0x1] =	wrdreg $0xFFFFFFFF  }
0xc2: {  	_ =	task.clear_ibuf [dreg:s7], $0x2FFFF;
	_ =	strace $0x9FFFFFFF  }
0xc3: {  	(tm) =	ssettm $0x7FFFFFFF  }
tec
execute0_lowered:
.L_overlay_start_1:
0x0: {  	(tag) =	ssettag $0x1  }
0x1: {  	s7 =	rddreg [dreg:$0x0]  }
0x2: {  	s6 =	rddreg [dreg:$0x1];
	s2 =	srdreg.scid  }
0x3: {  	s1 =	rddreg [dreg:$0x2];
	s5 =	sand.u32 $0x1, s2  }
0x4: {  	s2 =	stileid.u32;
	s8 =	smul.u32 $0x140000, s5  }
0x5: {  	s0 =	rddreg [dreg:$0x3];
	s3 =	simm.s32 $0x0;
	s9 =	smul.u32 $0x14000, s2  }
0x6: {  	s13 =	simm.s32 $0x80;
	s14 =	simm.s32 $0x0;
	s10 =	smul.u32 $0x50000, s2  }
0x7: {  	[smem:$0x7FF] =	sst s3;
	s4 =	sadd.s32 $0x3000, s6;
	s28 =	smul.u32 $0x28000, s5  }
0x8: {  	_ =	strace $0x80000047;
	s11 =	ssub.s32 $0x2, s5;
	s12 =	smul.u32 $0x2800, s2  }
0x9: {  	s5 =	sadd.s32 $0x2800, s6;
	s31 =	sshll.u32 s2, $0x6;
	s29 =	sshrl.u32 s11, $0x1  }
0xa: {  	s8 =	sadd.s32 s9, s8;
	s11 =	ssub.s32 s11, s29;
	s30 =	sshrl.u32 s10, $0x2  }
0xb: {  	s9 =	sadd.s32 s12, s28;
	s12 =	simm.s32 $0x2800;
	s8 =	sshrl.u32 s8, $0x3  }
0xc: {  	s10 =	sadd.s32 s30, s1;
	s9 =	sshrl.u32 s9, $0x3;
	s8 =	sadd.s32 s8, s6  }
0xd: {  	s6 =	sor.u32 $0x1C01, s31;
	s7 =	sadd.s32 s7, s9;
	s9 =	smax.u32 s11, $0x1  }
0xe: {  	s10 =	sshrl.u32 s10, $0x3;
	s11 =	simm.s32 $0x1;
	s8 =	sadd.s32 $0x5800, s8  }
.LBB2_1:
0xf: {  	[spmem:s10], [sflag:s6] =	dma.local [hbm:s4], $0x2800  }
0x10: {  	_ =	swait.ge [sflag:s11], $0x2800  }
0x11: {  	[sflag:s11] =	ssyncset.done $0x0  }
0x12: {  	[sflag:s11] =	ssyncadd.s32 $0xFFFFD800  }
0x13: {  	[tilespmem:s12], [sflag:$0x1] =	stream.linear.gather [hbm4b:s5+s3], $0x4000, $0x38;
	[tilespmem:$0x1A800] =	vst v63  }
0x14: {  	_ =	swait.ge [sflag:s11], $0x4000  }
0x15: {  	[sflag:s11] =	ssyncset.done $0x0  }
0x16: {  	[sflag:s11] =	ssyncadd.s32 $0xFFFFC000  }
0x17: {  	[tilespmem:s3], [sflag:$0x1] =	stream.linear.gather [hbm4b:s7+s3], $0x2780, $0x38;
	[tilespmem:$0x1A800] =	vst v63  }
0x18: {  	_ =	swait.ge [sflag:s11], $0x2780  }
0x19: {  	[sflag:s11] =	ssyncset.done $0x0  }
0x1a: {  	[sflag:s11] =	ssyncadd.s32 $0xFFFFD880  }
0x1b: {  	s15 =	simm.s32 $0x0;
	[bflag:$0x0] =	sbarrier.arrive $0xFFFF  }
0x1c: {  	[spmem:s1] =	stream.indirect.scatter.add.f32 [tilespmem:s12], [sflag:$0x1], $0x80, s15, s13, $0xb8;
	[tilespmem:$0x1A800] =	vst v63  }
0x1d: {  	_ =	swait.ge [sflag:s11], $0x4000  }
0x1e: {  	s15 =	simm.s32 $0x200;
	[sflag:s11] =	ssyncset.done $0x0  }
.LBB2_2:
0x1f: {  	s16 =	sshra.s32 s15, $0x2;
	[sflag:s11] =	ssyncadd.s32 $0xFFFFC000;
	p0 =	sne.s32 s15, $0x9C00  }
0x20: {  	[spmem:s1] =	stream.indirect.scatter.add.f32 [tilespmem:s12], [sflag:$0x1], $0x80, s16, s13, $0xb8;
	[tilespmem:$0x1A800] =	vst v63  }
.Ltmp0:
0x21: {  	_ = 	snop;
	(pc) =	sbr.rel @p0 .LBB2_2-.Ltmp0, $4  }
0x22: {  	_ = 	snop  }
0x23: {  	s15 =	sadd.s32 $0x200, s15  }
0x24: {  	_ =	swait.ge [sflag:s11], $0x4000  }
0x25: {  	[sflag:s11] =	ssyncset.done $0x0  }
0x26: {  	s14 =	sadd.s32 $0x1, s14  }
0x27: {  	[sflag:s11] =	ssyncadd.s32 $0xFFFFC000;
	p0 =	sne.s32 s14, s9  }
.Ltmp1:
0x28: {  	[bflag:$0x0] =	sbarrier.arrive $0xFFFF;
	(pc) =	sbr.rel @p0 .LBB2_1-.Ltmp1, $4  }
0x29: {  	[hbm:s8], [sflag:s6] =	dma.local [spmem:s10], $0x2800  }
0x2a: {  	_ =	swait.ge [sflag:s11], $0x2800  }
0x2b: {  	[sflag:s11] =	ssyncset.done $0x0  }
0x2c: {  	[sflag:s11] =	ssyncadd.s32 $0xFFFFD800  }
0x2d: {  	_ =	sfence.sel $0x180000  }
0x2e: {  	[bflag:$0x0] =	sbarrier.arrive $0xFFFF  }
0x2f: {  	p0 =	sne.s32 s2, $0x0;
	_ =	strace $0x90000047  }
0x30: {  	s0 =	sadd.s32 @!p0 $0x100000, s0;
	[bflag:$0x2] =	sbarrier.arrive $0xFFFF  }
0x31: {  	[sflag:s0] =	ssyncadd.tile.s32 @!p0 $0x1;
	_ =	shalt  }
.Lfunc_end2:
_tile_overlayer_lowered:
.L_overlay_start_2:
0x32: {  	(tag) =	ssettag $0x2  }
0x33: {  	s0 =	rddreg [dreg:$0x0];
	s2 =	stileid.u32  }
0x34: {  	s1 =	rddreg [dreg:$0x1];
	p0 =	sne.s32 s2, $0x0  }
0x35: {  	s3 =	rddreg [dreg:$0x2];
	[bflag:$0x3] =	sbarrier.arrive $0xFFFF;
	s2 =	simm.s32 @!p0 $0x1C01  }
0x36: {  	[timem:s3], [sflag:s2] =	dma.local @!p0 [hbm:s0], s1  }
0x37: {  	s0 =	simm.s32 @!p0 $0x1  }
0x38: {  	_ =	swait.ge @!p0 [sflag:s0], s1  }
0x39: {  	s1 =	ssub.s32 @!p0 $0x0, s1;
	[sflag:s0] =	ssyncset.done @!p0 $0x0  }
0x3a: {  	[sflag:s0] =	ssyncadd.s32 @!p0 s1  }
0x3b: {  	[bflag:$0x3] =	sbarrier.arrive $0xFFFF  }
0x3c: {  	_ =	shalt  }

</sc_bundles>
